<compile_context>
chip_gen: v7x
topology: tpu7x:2x2x1
jax: 0.10.2.dev20260603
libtpu: 0.0.44.dev20260713+nightly
codegen_flags: <defaults>
</compile_context>

<pallas_src>
import functools

import jax
import jax.numpy as jnp
import numpy as np
from jax import lax
from jax.experimental import pallas as pl
from jax.experimental.pallas import tpu as pltpu
from jax.experimental.pallas import tpu_sc as plsc

_B, _F, _M = 32, 64, 128
_N = _B * _F
_T = _M * (_M - 1) // 2
_L = 16
_G = 16
_KSC = 576

_R, _C = np.triu_indices(_M, k=1)
_ROWS = np.asarray(_R, dtype=np.int32)
_COLS = np.asarray(_C, dtype=np.int32)

_LENS = [_M - 1 - r for r in range(_M - 1)]
_OFF = np.concatenate([[0], np.cumsum(_LENS)]).astype(np.int64)


def _sc_call(x3, rows, cols):
    info = plsc.get_sparse_core_info()
    nw = info.num_cores * info.num_subcores
    npw = _KSC // nw

    mesh = plsc.VectorSubcoreMesh(core_axis_name="c", subcore_axis_name="s")

    @functools.partial(
        pl.kernel,
        mesh=mesh,
        out_type=jax.ShapeDtypeStruct((_KSC, _T), jnp.float32),
        scratch_types=[
            pltpu.VMEM((_M, _M), jnp.float32),
            pltpu.VMEM((_M, _M), jnp.float32),
            pltpu.VMEM((_T,), jnp.float32),
            pltpu.VMEM((_T,), jnp.float32),
            pltpu.VMEM((_T,), jnp.int32),
            pltpu.VMEM((_T,), jnp.int32),
            pltpu.SemaphoreType.DMA,
            pltpu.SemaphoreType.DMA,
        ],
        compiler_params=pltpu.CompilerParams(needs_layout_passes=False),
    )
    def k(x_hbm, r_hbm, c_hbm, out_hbm, in0, in1, ou0, ou1, rb, cb,
          in_sem, out_sem):
        wid = lax.axis_index("s") * info.num_cores + lax.axis_index("c")
        base = wid * npw
        pltpu.sync_copy(r_hbm, rb)
        pltpu.sync_copy(c_hbm, cb)
        ins = (in0, in1)
        ous = (ou0, ou1)

        def gather(sb, db):
            def chunk(i, c):
                riv = rb[pl.ds(i * _L, _L)]
                civ = cb[pl.ds(i * _L, _L)]
                db[pl.ds(i * _L, _L)] = plsc.load_gather(sb, [riv, civ])
                return c

            lax.fori_loop(0, _T // _L, chunk, 0, unroll=8)

        pltpu.async_copy(x_hbm.at[base], in0, in_sem)

        def outer(i, carry):
            n = base + 2 * i
            for b in range(2):
                m = n + b

                @pl.when(m + 1 < base + npw)
                def _():
                    pltpu.async_copy(x_hbm.at[m + 1], ins[1 - b], in_sem)

                pltpu.make_async_copy(x_hbm.at[m], ins[b], in_sem).wait()

                @pl.when(m - 2 >= base)
                def _():
                    pltpu.make_async_copy(
                        ous[b], out_hbm.at[m - 2], out_sem
                    ).wait()

                gather(ins[b], ous[b])
                pltpu.async_copy(ous[b], out_hbm.at[m], out_sem)
            return carry

        lax.fori_loop(0, npw // 2, outer, 0)
        pltpu.make_async_copy(ou0, out_hbm.at[base], out_sem).wait()
        pltpu.make_async_copy(ou1, out_hbm.at[base], out_sem).wait()

    return k(x3, rows, cols)


def _tc_body(x_ref, o_ref):
    for r in range(_M - 1):
        seg = _M - 1 - r
        o = int(_OFF[r])
        o_ref[:, o:o + seg] = x_ref[:, r, r + 1:_M]


def _tc_call(x3):
    n_tc = _N - _KSC
    off = _KSC // _G
    return pl.pallas_call(
        _tc_body,
        grid=(n_tc // _G,),
        in_specs=[
            pl.BlockSpec((_G, _M, _M), lambda i: (i + off, 0, 0)),
        ],
        out_specs=pl.BlockSpec((_G, _T), lambda i: (i + off, 0)),
        out_shape=jax.ShapeDtypeStruct((_N, _T), jnp.float32),
    )(x3)


@jax.jit
def _triu(x3, rows, cols):
    out_sc = _sc_call(x3, rows, cols)
    out_tc = _tc_call(x3)
    return lax.dynamic_update_slice(out_tc, out_sc, (0, 0))


def kernel(X):
    out = _triu(X.reshape(_N, _M, _M), _ROWS, _COLS)
    return out.reshape(_B, _F, _T)

# --- scband reference (transcript-rebuilt; emitter-appended) ---
"""Pipeline reference for scband-triu-24137716204182 (READ-ONLY COPY).

The authoritative reference and input builder live on the scoring server;
editing this copy changes nothing except your own understanding.
"""

import jax, jax.numpy as jnp
import numpy as np

B, F, M = 32, 64, 128

def setup_inputs(seed: int = 0) -> dict:
    key = jax.random.key(seed)
    X = jax.random.normal(key, (B, F, M, M), dtype=jnp.float32)
    return {"X": X}

def reference(X) -> jnp.ndarray:
    # Strict upper triangular (excluding diagonal), flattened row-major,
    # matching tf.boolean_mask(X, mask, axis=2) with mask = band_part upper minus diag.
    M_ = X.shape[2]
    rows, cols = jnp.triu_indices(M_, k=1)
    triu = X[:, :, rows, cols]  # gather -> shape (B, F, M*(M-1)//2)
    return triu

if __name__ == "__main__":
    import jax
    _d = setup_inputs()
    print(jax.jit(kernel)(*tuple(_d.values())))

</pallas_src>

<mosaic_0001>
#map = affine_map<(d0, d1) -> (0, 0, 0)>
#map1 = affine_map<(d0, d1) -> (0)>
#map2 = affine_map<(d0, d1) -> (0, 0)>
module attributes {stable_mosaic.version = 14 : i64} {
  func.func @k(%arg0: i32, %arg1: i32, %arg2: memref<2048x128x128xf32, #tpu.memory_space<hbm>>, %arg3: memref<8128xi32, #tpu.memory_space<hbm>>, %arg4: memref<8128xi32, #tpu.memory_space<hbm>>, %arg5: memref<576x8128xf32, #tpu.memory_space<hbm>>, %arg6: memref<128x128xf32, #tpu.memory_space<vmem>>, %arg7: memref<128x128xf32, #tpu.memory_space<vmem>>, %arg8: memref<8128xf32, #tpu.memory_space<vmem>>, %arg9: memref<8128xf32, #tpu.memory_space<vmem>>, %arg10: memref<8128xi32, #tpu.memory_space<vmem>>, %arg11: memref<8128xi32, #tpu.memory_space<vmem>>, %arg12: memref<!tpu.dma_semaphore, #tpu.memory_space<semaphore_mem>>, %arg13: memref<!tpu.dma_semaphore, #tpu.memory_space<semaphore_mem>>) attributes {dimension_semantics = [#tpu.dimension_semantics<core_parallel>, #tpu.dimension_semantics<subcore_parallel>], iteration_bounds = array<i64: 2, 16>, scalar_prefetch = 0 : i64, scratch_operands = 8 : i64, tpu.core_type = #tpu.core_type<sc_vector_subcore>, window_params = [{transform_indices = #map}, {transform_indices = #map1}, {transform_indices = #map1}, {transform_indices = #map2}]} {
    %mul3A = arith.constant 2 : i32
    %mul3A_0 = arith.muli %arg1, %mul3A : i32
    %add3A = arith.addi %mul3A_0, %arg0 : i32
    %mul3A_1 = arith.constant 18 : i32
    %mul3A_2 = arith.muli %add3A, %mul3A_1 : i32
    "tpu.region"() ({
      %run_scoped3A = tpu.sem_alloc : memref<!tpu.dma_semaphore, #tpu.memory_space<semaphore_mem>>
      tpu.enqueue_dma source(%arg3 : memref<8128xi32, #tpu.memory_space<hbm>>) target(%arg10 : memref<8128xi32, #tpu.memory_space<vmem>>) target_semaphore(%run_scoped3A : memref<!tpu.dma_semaphore, #tpu.memory_space<semaphore_mem>>)
      tpu.wait_dma2 semaphore(%run_scoped3A : memref<!tpu.dma_semaphore, #tpu.memory_space<semaphore_mem>>) src(%arg3 : memref<8128xi32, #tpu.memory_space<hbm>>) dst(%arg10 : memref<8128xi32, #tpu.memory_space<vmem>>)
      tpu.yield
    }) : () -> ()
    "tpu.region"() ({
      %run_scoped3A = tpu.sem_alloc : memref<!tpu.dma_semaphore, #tpu.memory_space<semaphore_mem>>
      tpu.enqueue_dma source(%arg4 : memref<8128xi32, #tpu.memory_space<hbm>>) target(%arg11 : memref<8128xi32, #tpu.memory_space<vmem>>) target_semaphore(%run_scoped3A : memref<!tpu.dma_semaphore, #tpu.memory_space<semaphore_mem>>)
      tpu.wait_dma2 semaphore(%run_scoped3A : memref<!tpu.dma_semaphore, #tpu.memory_space<semaphore_mem>>) src(%arg4 : memref<8128xi32, #tpu.memory_space<hbm>>) dst(%arg11 : memref<8128xi32, #tpu.memory_space<vmem>>)
      tpu.yield
    }) : () -> ()
    %dma_start3A = arith.constant 0 : i32
    %dma_start3A_3 = arith.constant 0 : i32
    %dma_start3A_4 = tpu.memref_slice %arg2[%mul3A_2, %dma_start3A, %dma_start3A_3] : memref<2048x128x128xf32, #tpu.memory_space<hbm>> -> memref<1x128x128xf32, #tpu.memory_space<hbm>>
    %dma_start3A_5 = tpu.memref_squeeze %dma_start3A_4 : memref<1x128x128xf32, #tpu.memory_space<hbm>> -> memref<128x128xf32, #tpu.memory_space<hbm>>
    %dma_start3A_6 = arith.constant 0 : i32
    %dma_start3A_7 = arith.constant 0 : i32
    %dma_start3A_8 = tpu.memref_slice %arg2[%mul3A_2, %dma_start3A_6, %dma_start3A_7] : memref<2048x128x128xf32, #tpu.memory_space<hbm>> -> memref<1x128x128xf32, #tpu.memory_space<hbm>>
    %dma_start3A_9 = tpu.memref_squeeze %dma_start3A_8 : memref<1x128x128xf32, #tpu.memory_space<hbm>> -> memref<128x128xf32, #tpu.memory_space<hbm>>
    tpu.enqueue_dma source(%dma_start3A_9 : memref<128x128xf32, #tpu.memory_space<hbm>>) target(%arg6 : memref<128x128xf32, #tpu.memory_space<vmem>>) target_semaphore(%arg12 : memref<!tpu.dma_semaphore, #tpu.memory_space<semaphore_mem>>)
    %scan3A = arith.constant 0 : i32
    %scan3A_10 = arith.constant 0 : i32
    %scan3A_11 = arith.constant 9 : i32
    %scan3A_12 = arith.addi %scan3A_10, %scan3A_11 : i32
    %scan3A_13 = arith.constant 1 : i32
    scf.for %scan3A_26 = %scan3A_10 to %scan3A_12 step %scan3A_13  : i32 {
      %mul3A_27 = arith.constant 2 : i32
      %mul3A_28 = arith.muli %mul3A_27, %scan3A_26 : i32
      %add3A_29 = arith.addi %mul3A_2, %mul3A_28 : i32
      %add3A_30 = arith.constant 0 : i32
      %add3A_31 = arith.addi %add3A_29, %add3A_30 : i32
      %add3A_32 = arith.constant 1 : i32
      %add3A_33 = arith.addi %add3A_31, %add3A_32 : i32
      %add3A_34 = arith.constant 18 : i32
      %add3A_35 = arith.addi %mul3A_2, %add3A_34 : i32
      %lt3A = arith.cmpi slt, %add3A_33, %add3A_35 : i32
      %convert_element_type3A = arith.extui %lt3A : i1 to i32
      %cond3A = arith.constant 0 : i32
      %cond3A_36 = arith.cmpi ne, %convert_element_type3A, %cond3A : i32
      scf.if %cond3A_36 {
        %add3A_214 = arith.constant 1 : i32
        %add3A_215 = arith.addi %add3A_31, %add3A_214 : i32
        %dma_start3A_216 = arith.constant 0 : i32
        %dma_start3A_217 = arith.constant 0 : i32
        %dma_start3A_218 = tpu.memref_slice %arg2[%add3A_215, %dma_start3A_216, %dma_start3A_217] : memref<2048x128x128xf32, #tpu.memory_space<hbm>> -> memref<1x128x128xf32, #tpu.memory_space<hbm>>
        %dma_start3A_219 = tpu.memref_squeeze %dma_start3A_218 : memref<1x128x128xf32, #tpu.memory_space<hbm>> -> memref<128x128xf32, #tpu.memory_space<hbm>>
        %dma_start3A_220 = arith.constant 0 : i32
        %dma_start3A_221 = arith.constant 0 : i32
        %dma_start3A_222 = tpu.memref_slice %arg2[%add3A_215, %dma_start3A_220, %dma_start3A_221] : memref<2048x128x128xf32, #tpu.memory_space<hbm>> -> memref<1x128x128xf32, #tpu.memory_space<hbm>>
        %dma_start3A_223 = tpu.memref_squeeze %dma_start3A_222 : memref<1x128x128xf32, #tpu.memory_space<hbm>> -> memref<128x128xf32, #tpu.memory_space<hbm>>
        tpu.enqueue_dma source(%dma_start3A_223 : memref<128x128xf32, #tpu.memory_space<hbm>>) target(%arg7 : memref<128x128xf32, #tpu.memory_space<vmem>>) target_semaphore(%arg12 : memref<!tpu.dma_semaphore, #tpu.memory_space<semaphore_mem>>)
      } else {
      }
      %dma_wait3A_37 = arith.constant 0 : i32
      %dma_wait3A_38 = arith.constant 0 : i32
      %dma_wait3A_39 = tpu.memref_slice %arg2[%add3A_31, %dma_wait3A_37, %dma_wait3A_38] : memref<2048x128x128xf32, #tpu.memory_space<hbm>> -> memref<1x128x128xf32, #tpu.memory_space<hbm>>
      %dma_wait3A_40 = tpu.memref_squeeze %dma_wait3A_39 : memref<1x128x128xf32, #tpu.memory_space<hbm>> -> memref<128x128xf32, #tpu.memory_space<hbm>>
      %dma_wait3A_41 = arith.constant 0 : i32
      %dma_wait3A_42 = arith.constant 0 : i32
      %dma_wait3A_43 = tpu.memref_slice %arg2[%add3A_31, %dma_wait3A_41, %dma_wait3A_42] : memref<2048x128x128xf32, #tpu.memory_space<hbm>> -> memref<1x128x128xf32, #tpu.memory_space<hbm>>
      %dma_wait3A_44 = tpu.memref_squeeze %dma_wait3A_43 : memref<1x128x128xf32, #tpu.memory_space<hbm>> -> memref<128x128xf32, #tpu.memory_space<hbm>>
      tpu.wait_dma2 semaphore(%arg12 : memref<!tpu.dma_semaphore, #tpu.memory_space<semaphore_mem>>) src(%dma_wait3A_44 : memref<128x128xf32, #tpu.memory_space<hbm>>) dst(%arg6 : memref<128x128xf32, #tpu.memory_space<vmem>>)
      %sub3A = arith.constant 2 : i32
      %sub3A_45 = arith.subi %add3A_31, %sub3A : i32
      %ge3A = arith.cmpi sge, %sub3A_45, %mul3A_2 : i32
      %convert_element_type3A_46 = arith.extui %ge3A : i1 to i32
      %cond3A_47 = arith.constant 0 : i32
      %cond3A_48 = arith.cmpi ne, %convert_element_type3A_46, %cond3A_47 : i32
      scf.if %cond3A_48 {
        %sub3A_214 = arith.constant 2 : i32
        %sub3A_215 = arith.subi %add3A_31, %sub3A_214 : i32
        %dma_wait3A_216 = arith.constant 0 : i32
        %dma_wait3A_217 = tpu.memref_slice %arg5[%sub3A_215, %dma_wait3A_216] : memref<576x8128xf32, #tpu.memory_space<hbm>> -> memref<1x8128xf32, #tpu.memory_space<hbm>>
        %dma_wait3A_218 = tpu.memref_squeeze %dma_wait3A_217 : memref<1x8128xf32, #tpu.memory_space<hbm>> -> memref<8128xf32, #tpu.memory_space<hbm>>
        %dma_wait3A_219 = arith.constant 0 : i32
        %dma_wait3A_220 = tpu.memref_slice %arg5[%sub3A_215, %dma_wait3A_219] : memref<576x8128xf32, #tpu.memory_space<hbm>> -> memref<1x8128xf32, #tpu.memory_space<hbm>>
        %dma_wait3A_221 = tpu.memref_squeeze %dma_wait3A_220 : memref<1x8128xf32, #tpu.memory_space<hbm>> -> memref<8128xf32, #tpu.memory_space<hbm>>
        tpu.wait_dma2 semaphore(%arg13 : memref<!tpu.dma_semaphore, #tpu.memory_space<semaphore_mem>>) src(%arg8 : memref<8128xf32, #tpu.memory_space<vmem>>) dst(%dma_wait3A_221 : memref<8128xf32, #tpu.memory_space<hbm>>)
      } else {
      }
      %scan3A_49 = arith.constant 0 : i32
      %scan3A_50 = arith.constant 0 : i32
      %scan3A_51 = arith.constant 504 : i32
      %scan3A_52 = arith.addi %scan3A_50, %scan3A_51 : i32
      %scan3A_53 = arith.constant 8 : i32
      scf.for %scan3A_214 = %scan3A_50 to %scan3A_52 step %scan3A_53  : i32 {
        %mul3A_215 = arith.constant 16 : i32
        %mul3A_216 = arith.muli %scan3A_214, %mul3A_215 : i32
        %get3A_217 = arith.index_cast %mul3A_216 : i32 to index
        %get3A_218 = tpu.vector_load %arg10[%get3A_217] {strides = array<i32>} : memref<8128xi32, #tpu.memory_space<vmem>>, vector<16xi32>,
        %mul3A_219 = arith.constant 16 : i32
        %mul3A_220 = arith.muli %scan3A_214, %mul3A_219 : i32
        %get3A_221 = arith.index_cast %mul3A_220 : i32 to index
        %get3A_222 = tpu.vector_load %arg11[%get3A_221] {strides = array<i32>} : memref<8128xi32, #tpu.memory_space<vmem>>, vector<16xi32>,
        %gather3A_223 = tpu.vector_load_idx %arg6[%get3A_218, %get3A_222] : memref<128x128xf32, #tpu.memory_space<vmem>>[vector<16xi32>, vector<16xi32>], vector<16xf32>,
        %mul3A_224 = arith.constant 16 : i32
        %mul3A_225 = arith.muli %scan3A_214, %mul3A_224 : i32
        %swap3A_226 = arith.index_cast %mul3A_225 : i32 to index
        %swap3A_227 = tpu.vector_load %arg8[%swap3A_226] {strides = array<i32>} : memref<8128xf32, #tpu.memory_space<vmem>>, vector<16xf32>,
        tpu.vector_store %arg8[%swap3A_226], %gather3A_223 {strides = array<i32>} : memref<8128xf32, #tpu.memory_space<vmem>>, vector<16xf32>,
        %scan3A_228 = arith.constant 1 : i32
        %scan3A_229 = arith.addi %scan3A_214, %scan3A_228 : i32
        %mul3A_230 = arith.constant 16 : i32
        %mul3A_231 = arith.muli %scan3A_229, %mul3A_230 : i32
        %get3A_232 = arith.index_cast %mul3A_231 : i32 to index
        %get3A_233 = tpu.vector_load %arg10[%get3A_232] {strides = array<i32>} : memref<8128xi32, #tpu.memory_space<vmem>>, vector<16xi32>,
        %mul3A_234 = arith.constant 16 : i32
        %mul3A_235 = arith.muli %scan3A_229, %mul3A_234 : i32
        %get3A_236 = arith.index_cast %mul3A_235 : i32 to index
        %get3A_237 = tpu.vector_load %arg11[%get3A_236] {strides = array<i32>} : memref<8128xi32, #tpu.memory_space<vmem>>, vector<16xi32>,
        %gather3A_238 = tpu.vector_load_idx %arg6[%get3A_233, %get3A_237] : memref<128x128xf32, #tpu.memory_space<vmem>>[vector<16xi32>, vector<16xi32>], vector<16xf32>,
        %mul3A_239 = arith.constant 16 : i32
        %mul3A_240 = arith.muli %scan3A_229, %mul3A_239 : i32
        %swap3A_241 = arith.index_cast %mul3A_240 : i32 to index
        %swap3A_242 = tpu.vector_load %arg8[%swap3A_241] {strides = array<i32>} : memref<8128xf32, #tpu.memory_space<vmem>>, vector<16xf32>,
        tpu.vector_store %arg8[%swap3A_241], %gather3A_238 {strides = array<i32>} : memref<8128xf32, #tpu.memory_space<vmem>>, vector<16xf32>,
        %scan3A_243 = arith.constant 2 : i32
        %scan3A_244 = arith.addi %scan3A_214, %scan3A_243 : i32
        %mul3A_245 = arith.constant 16 : i32
        %mul3A_246 = arith.muli %scan3A_244, %mul3A_245 : i32
        %get3A_247 = arith.index_cast %mul3A_246 : i32 to index
        %get3A_248 = tpu.vector_load %arg10[%get3A_247] {strides = array<i32>} : memref<8128xi32, #tpu.memory_space<vmem>>, vector<16xi32>,
        %mul3A_249 = arith.constant 16 : i32
        %mul3A_250 = arith.muli %scan3A_244, %mul3A_249 : i32
        %get3A_251 = arith.index_cast %mul3A_250 : i32 to index
        %get3A_252 = tpu.vector_load %arg11[%get3A_251] {strides = array<i32>} : memref<8128xi32, #tpu.memory_space<vmem>>, vector<16xi32>,
        %gather3A_253 = tpu.vector_load_idx %arg6[%get3A_248, %get3A_252] : memref<128x128xf32, #tpu.memory_space<vmem>>[vector<16xi32>, vector<16xi32>], vector<16xf32>,
        %mul3A_254 = arith.constant 16 : i32
        %mul3A_255 = arith.muli %scan3A_244, %mul3A_254 : i32
        %swap3A_256 = arith.index_cast %mul3A_255 : i32 to index
        %swap3A_257 = tpu.vector_load %arg8[%swap3A_256] {strides = array<i32>} : memref<8128xf32, #tpu.memory_space<vmem>>, vector<16xf32>,
        tpu.vector_store %arg8[%swap3A_256], %gather3A_253 {strides = array<i32>} : memref<8128xf32, #tpu.memory_space<vmem>>, vector<16xf32>,
        %scan3A_258 = arith.constant 3 : i32
        %scan3A_259 = arith.addi %scan3A_214, %scan3A_258 : i32
        %mul3A_260 = arith.constant 16 : i32
        %mul3A_261 = arith.muli %scan3A_259, %mul3A_260 : i32
        %get3A_262 = arith.index_cast %mul3A_261 : i32 to index
        %get3A_263 = tpu.vector_load %arg10[%get3A_262] {strides = array<i32>} : memref<8128xi32, #tpu.memory_space<vmem>>, vector<16xi32>,
        %mul3A_264 = arith.constant 16 : i32
        %mul3A_265 = arith.muli %scan3A_259, %mul3A_264 : i32
        %get3A_266 = arith.index_cast %mul3A_265 : i32 to index
        %get3A_267 = tpu.vector_load %arg11[%get3A_266] {strides = array<i32>} : memref<8128xi32, #tpu.memory_space<vmem>>, vector<16xi32>,
        %gather3A_268 = tpu.vector_load_idx %arg6[%get3A_263, %get3A_267] : memref<128x128xf32, #tpu.memory_space<vmem>>[vector<16xi32>, vector<16xi32>], vector<16xf32>,
        %mul3A_269 = arith.constant 16 : i32
        %mul3A_270 = arith.muli %scan3A_259, %mul3A_269 : i32
        %swap3A_271 = arith.index_cast %mul3A_270 : i32 to index
        %swap3A_272 = tpu.vector_load %arg8[%swap3A_271] {strides = array<i32>} : memref<8128xf32, #tpu.memory_space<vmem>>, vector<16xf32>,
        tpu.vector_store %arg8[%swap3A_271], %gather3A_268 {strides = array<i32>} : memref<8128xf32, #tpu.memory_space<vmem>>, vector<16xf32>,
        %scan3A_273 = arith.constant 4 : i32
        %scan3A_274 = arith.addi %scan3A_214, %scan3A_273 : i32
        %mul3A_275 = arith.constant 16 : i32
        %mul3A_276 = arith.muli %scan3A_274, %mul3A_275 : i32
        %get3A_277 = arith.index_cast %mul3A_276 : i32 to index
        %get3A_278 = tpu.vector_load %arg10[%get3A_277] {strides = array<i32>} : memref<8128xi32, #tpu.memory_space<vmem>>, vector<16xi32>,
        %mul3A_279 = arith.constant 16 : i32
        %mul3A_280 = arith.muli %scan3A_274, %mul3A_279 : i32
        %get3A_281 = arith.index_cast %mul3A_280 : i32 to index
        %get3A_282 = tpu.vector_load %arg11[%get3A_281] {strides = array<i32>} : memref<8128xi32, #tpu.memory_space<vmem>>, vector<16xi32>,
        %gather3A_283 = tpu.vector_load_idx %arg6[%get3A_278, %get3A_282] : memref<128x128xf32, #tpu.memory_space<vmem>>[vector<16xi32>, vector<16xi32>], vector<16xf32>,
        %mul3A_284 = arith.constant 16 : i32
        %mul3A_285 = arith.muli %scan3A_274, %mul3A_284 : i32
        %swap3A_286 = arith.index_cast %mul3A_285 : i32 to index
        %swap3A_287 = tpu.vector_load %arg8[%swap3A_286] {strides = array<i32>} : memref<8128xf32, #tpu.memory_space<vmem>>, vector<16xf32>,
        tpu.vector_store %arg8[%swap3A_286], %gather3A_283 {strides = array<i32>} : memref<8128xf32, #tpu.memory_space<vmem>>, vector<16xf32>,
        %scan3A_288 = arith.constant 5 : i32
        %scan3A_289 = arith.addi %scan3A_214, %scan3A_288 : i32
        %mul3A_290 = arith.constant 16 : i32
        %mul3A_291 = arith.muli %scan3A_289, %mul3A_290 : i32
        %get3A_292 = arith.index_cast %mul3A_291 : i32 to index
        %get3A_293 = tpu.vector_load %arg10[%get3A_292] {strides = array<i32>} : memref<8128xi32, #tpu.memory_space<vmem>>, vector<16xi32>,
        %mul3A_294 = arith.constant 16 : i32
        %mul3A_295 = arith.muli %scan3A_289, %mul3A_294 : i32
        %get3A_296 = arith.index_cast %mul3A_295 : i32 to index
        %get3A_297 = tpu.vector_load %arg11[%get3A_296] {strides = array<i32>} : memref<8128xi32, #tpu.memory_space<vmem>>, vector<16xi32>,
        %gather3A_298 = tpu.vector_load_idx %arg6[%get3A_293, %get3A_297] : memref<128x128xf32, #tpu.memory_space<vmem>>[vector<16xi32>, vector<16xi32>], vector<16xf32>,
        %mul3A_299 = arith.constant 16 : i32
        %mul3A_300 = arith.muli %scan3A_289, %mul3A_299 : i32
        %swap3A_301 = arith.index_cast %mul3A_300 : i32 to index
        %swap3A_302 = tpu.vector_load %arg8[%swap3A_301] {strides = array<i32>} : memref<8128xf32, #tpu.memory_space<vmem>>, vector<16xf32>,
        tpu.vector_store %arg8[%swap3A_301], %gather3A_298 {strides = array<i32>} : memref<8128xf32, #tpu.memory_space<vmem>>, vector<16xf32>,
        %scan3A_303 = arith.constant 6 : i32
        %scan3A_304 = arith.addi %scan3A_214, %scan3A_303 : i32
        %mul3A_305 = arith.constant 16 : i32
        %mul3A_306 = arith.muli %scan3A_304, %mul3A_305 : i32
        %get3A_307 = arith.index_cast %mul3A_306 : i32 to index
        %get3A_308 = tpu.vector_load %arg10[%get3A_307] {strides = array<i32>} : memref<8128xi32, #tpu.memory_space<vmem>>, vector<16xi32>,
        %mul3A_309 = arith.constant 16 : i32
        %mul3A_310 = arith.muli %scan3A_304, %mul3A_309 : i32
        %get3A_311 = arith.index_cast %mul3A_310 : i32 to index
        %get3A_312 = tpu.vector_load %arg11[%get3A_311] {strides = array<i32>} : memref<8128xi32, #tpu.memory_space<vmem>>, vector<16xi32>,
        %gather3A_313 = tpu.vector_load_idx %arg6[%get3A_308, %get3A_312] : memref<128x128xf32, #tpu.memory_space<vmem>>[vector<16xi32>, vector<16xi32>], vector<16xf32>,
        %mul3A_314 = arith.constant 16 : i32
        %mul3A_315 = arith.muli %scan3A_304, %mul3A_314 : i32
        %swap3A_316 = arith.index_cast %mul3A_315 : i32 to index
        %swap3A_317 = tpu.vector_load %arg8[%swap3A_316] {strides = array<i32>} : memref<8128xf32, #tpu.memory_space<vmem>>, vector<16xf32>,
        tpu.vector_store %arg8[%swap3A_316], %gather3A_313 {strides = array<i32>} : memref<8128xf32, #tpu.memory_space<vmem>>, vector<16xf32>,
        %scan3A_318 = arith.constant 7 : i32
        %scan3A_319 = arith.addi %scan3A_214, %scan3A_318 : i32
        %mul3A_320 = arith.constant 16 : i32
        %mul3A_321 = arith.muli %scan3A_319, %mul3A_320 : i32
        %get3A_322 = arith.index_cast %mul3A_321 : i32 to index
        %get3A_323 = tpu.vector_load %arg10[%get3A_322] {strides = array<i32>} : memref<8128xi32, #tpu.memory_space<vmem>>, vector<16xi32>,
        %mul3A_324 = arith.constant 16 : i32
        %mul3A_325 = arith.muli %scan3A_319, %mul3A_324 : i32
        %get3A_326 = arith.index_cast %mul3A_325 : i32 to index
        %get3A_327 = tpu.vector_load %arg11[%get3A_326] {strides = array<i32>} : memref<8128xi32, #tpu.memory_space<vmem>>, vector<16xi32>,
        %gather3A_328 = tpu.vector_load_idx %arg6[%get3A_323, %get3A_327] : memref<128x128xf32, #tpu.memory_space<vmem>>[vector<16xi32>, vector<16xi32>], vector<16xf32>,
        %mul3A_329 = arith.constant 16 : i32
        %mul3A_330 = arith.muli %scan3A_319, %mul3A_329 : i32
        %swap3A_331 = arith.index_cast %mul3A_330 : i32 to index
        %swap3A_332 = tpu.vector_load %arg8[%swap3A_331] {strides = array<i32>} : memref<8128xf32, #tpu.memory_space<vmem>>, vector<16xf32>,
        tpu.vector_store %arg8[%swap3A_331], %gather3A_328 {strides = array<i32>} : memref<8128xf32, #tpu.memory_space<vmem>>, vector<16xf32>,
      }
      %scan3A_54 = arith.constant 504 : i32
      %scan3A_55 = arith.addi %scan3A_50, %scan3A_54 : i32
      %mul3A_56 = arith.constant 16 : i32
      %mul3A_57 = arith.muli %scan3A_55, %mul3A_56 : i32
      %get3A = arith.index_cast %mul3A_57 : i32 to index
      %get3A_58 = tpu.vector_load %arg10[%get3A] {strides = array<i32>} : memref<8128xi32, #tpu.memory_space<vmem>>, vector<16xi32>,
      %mul3A_59 = arith.constant 16 : i32
      %mul3A_60 = arith.muli %scan3A_55, %mul3A_59 : i32
      %get3A_61 = arith.index_cast %mul3A_60 : i32 to index
      %get3A_62 = tpu.vector_load %arg11[%get3A_61] {strides = array<i32>} : memref<8128xi32, #tpu.memory_space<vmem>>, vector<16xi32>,
      %gather3A = tpu.vector_load_idx %arg6[%get3A_58, %get3A_62] : memref<128x128xf32, #tpu.memory_space<vmem>>[vector<16xi32>, vector<16xi32>], vector<16xf32>,
      %mul3A_63 = arith.constant 16 : i32
      %mul3A_64 = arith.muli %scan3A_55, %mul3A_63 : i32
      %swap3A = arith.index_cast %mul3A_64 : i32 to index
      %swap3A_65 = tpu.vector_load %arg8[%swap3A] {strides = array<i32>} : memref<8128xf32, #tpu.memory_space<vmem>>, vector<16xf32>,
      tpu.vector_store %arg8[%swap3A], %gather3A {strides = array<i32>} : memref<8128xf32, #tpu.memory_space<vmem>>, vector<16xf32>,
      %scan3A_66 = arith.constant 505 : i32
      %scan3A_67 = arith.addi %scan3A_50, %scan3A_66 : i32
      %mul3A_68 = arith.constant 16 : i32
      %mul3A_69 = arith.muli %scan3A_67, %mul3A_68 : i32
      %get3A_70 = arith.index_cast %mul3A_69 : i32 to index
      %get3A_71 = tpu.vector_load %arg10[%get3A_70] {strides = array<i32>} : memref<8128xi32, #tpu.memory_space<vmem>>, vector<16xi32>,
      %mul3A_72 = arith.constant 16 : i32
      %mul3A_73 = arith.muli %scan3A_67, %mul3A_72 : i32
      %get3A_74 = arith.index_cast %mul3A_73 : i32 to index
      %get3A_75 = tpu.vector_load %arg11[%get3A_74] {strides = array<i32>} : memref<8128xi32, #tpu.memory_space<vmem>>, vector<16xi32>,
      %gather3A_76 = tpu.vector_load_idx %arg6[%get3A_71, %get3A_75] : memref<128x128xf32, #tpu.memory_space<vmem>>[vector<16xi32>, vector<16xi32>], vector<16xf32>,
      %mul3A_77 = arith.constant 16 : i32
      %mul3A_78 = arith.muli %scan3A_67, %mul3A_77 : i32
      %swap3A_79 = arith.index_cast %mul3A_78 : i32 to index
      %swap3A_80 = tpu.vector_load %arg8[%swap3A_79] {strides = array<i32>} : memref<8128xf32, #tpu.memory_space<vmem>>, vector<16xf32>,
      tpu.vector_store %arg8[%swap3A_79], %gather3A_76 {strides = array<i32>} : memref<8128xf32, #tpu.memory_space<vmem>>, vector<16xf32>,
      %scan3A_81 = arith.constant 506 : i32
      %scan3A_82 = arith.addi %scan3A_50, %scan3A_81 : i32
      %mul3A_83 = arith.constant 16 : i32
      %mul3A_84 = arith.muli %scan3A_82, %mul3A_83 : i32
      %get3A_85 = arith.index_cast %mul3A_84 : i32 to index
      %get3A_86 = tpu.vector_load %arg10[%get3A_85] {strides = array<i32>} : memref<8128xi32, #tpu.memory_space<vmem>>, vector<16xi32>,
      %mul3A_87 = arith.constant 16 : i32
      %mul3A_88 = arith.muli %scan3A_82, %mul3A_87 : i32
      %get3A_89 = arith.index_cast %mul3A_88 : i32 to index
      %get3A_90 = tpu.vector_load %arg11[%get3A_89] {strides = array<i32>} : memref<8128xi32, #tpu.memory_space<vmem>>, vector<16xi32>,
      %gather3A_91 = tpu.vector_load_idx %arg6[%get3A_86, %get3A_90] : memref<128x128xf32, #tpu.memory_space<vmem>>[vector<16xi32>, vector<16xi32>], vector<16xf32>,
      %mul3A_92 = arith.constant 16 : i32
      %mul3A_93 = arith.muli %scan3A_82, %mul3A_92 : i32
      %swap3A_94 = arith.index_cast %mul3A_93 : i32 to index
      %swap3A_95 = tpu.vector_load %arg8[%swap3A_94] {strides = array<i32>} : memref<8128xf32, #tpu.memory_space<vmem>>, vector<16xf32>,
      tpu.vector_store %arg8[%swap3A_94], %gather3A_91 {strides = array<i32>} : memref<8128xf32, #tpu.memory_space<vmem>>, vector<16xf32>,
      %scan3A_96 = arith.constant 507 : i32
      %scan3A_97 = arith.addi %scan3A_50, %scan3A_96 : i32
      %mul3A_98 = arith.constant 16 : i32
      %mul3A_99 = arith.muli %scan3A_97, %mul3A_98 : i32
      %get3A_100 = arith.index_cast %mul3A_99 : i32 to index
      %get3A_101 = tpu.vector_load %arg10[%get3A_100] {strides = array<i32>} : memref<8128xi32, #tpu.memory_space<vmem>>, vector<16xi32>,
      %mul3A_102 = arith.constant 16 : i32
      %mul3A_103 = arith.muli %scan3A_97, %mul3A_102 : i32
      %get3A_104 = arith.index_cast %mul3A_103 : i32 to index
      %get3A_105 = tpu.vector_load %arg11[%get3A_104] {strides = array<i32>} : memref<8128xi32, #tpu.memory_space<vmem>>, vector<16xi32>,
      %gather3A_106 = tpu.vector_load_idx %arg6[%get3A_101, %get3A_105] : memref<128x128xf32, #tpu.memory_space<vmem>>[vector<16xi32>, vector<16xi32>], vector<16xf32>,
      %mul3A_107 = arith.constant 16 : i32
      %mul3A_108 = arith.muli %scan3A_97, %mul3A_107 : i32
      %swap3A_109 = arith.index_cast %mul3A_108 : i32 to index
      %swap3A_110 = tpu.vector_load %arg8[%swap3A_109] {strides = array<i32>} : memref<8128xf32, #tpu.memory_space<vmem>>, vector<16xf32>,
      tpu.vector_store %arg8[%swap3A_109], %gather3A_106 {strides = array<i32>} : memref<8128xf32, #tpu.memory_space<vmem>>, vector<16xf32>,
      %scan3A_111 = arith.constant 508 : i32
      %dma_start3A_112 = arith.constant 0 : i32
      %dma_start3A_113 = tpu.memref_slice %arg5[%add3A_31, %dma_start3A_112] : memref<576x8128xf32, #tpu.memory_space<hbm>> -> memref<1x8128xf32, #tpu.memory_space<hbm>>
      %dma_start3A_114 = tpu.memref_squeeze %dma_start3A_113 : memref<1x8128xf32, #tpu.memory_space<hbm>> -> memref<8128xf32, #tpu.memory_space<hbm>>
      %dma_start3A_115 = arith.constant 0 : i32
      %dma_start3A_116 = tpu.memref_slice %arg5[%add3A_31, %dma_start3A_115] : memref<576x8128xf32, #tpu.memory_space<hbm>> -> memref<1x8128xf32, #tpu.memory_space<hbm>>
      %dma_start3A_117 = tpu.memref_squeeze %dma_start3A_116 : memref<1x8128xf32, #tpu.memory_space<hbm>> -> memref<8128xf32, #tpu.memory_space<hbm>>
      tpu.enqueue_dma source(%arg8 : memref<8128xf32, #tpu.memory_space<vmem>>) target(%dma_start3A_117 : memref<8128xf32, #tpu.memory_space<hbm>>) target_semaphore(%arg13 : memref<!tpu.dma_semaphore, #tpu.memory_space<semaphore_mem>>)
      %add3A_118 = arith.constant 1 : i32
      %add3A_119 = arith.addi %add3A_29, %add3A_118 : i32
      %add3A_120 = arith.constant 1 : i32
      %add3A_121 = arith.addi %add3A_119, %add3A_120 : i32
      %add3A_122 = arith.constant 18 : i32
      %add3A_123 = arith.addi %mul3A_2, %add3A_122 : i32
      %lt3A_124 = arith.cmpi slt, %add3A_121, %add3A_123 : i32
      %convert_element_type3A_125 = arith.extui %lt3A_124 : i1 to i32
      %cond3A_126 = arith.constant 0 : i32
      %cond3A_127 = arith.cmpi ne, %convert_element_type3A_125, %cond3A_126 : i32
      scf.if %cond3A_127 {
        %add3A_214 = arith.constant 1 : i32
        %add3A_215 = arith.addi %add3A_119, %add3A_214 : i32
        %dma_start3A_216 = arith.constant 0 : i32
        %dma_start3A_217 = arith.constant 0 : i32
        %dma_start3A_218 = tpu.memref_slice %arg2[%add3A_215, %dma_start3A_216, %dma_start3A_217] : memref<2048x128x128xf32, #tpu.memory_space<hbm>> -> memref<1x128x128xf32, #tpu.memory_space<hbm>>
        %dma_start3A_219 = tpu.memref_squeeze %dma_start3A_218 : memref<1x128x128xf32, #tpu.memory_space<hbm>> -> memref<128x128xf32, #tpu.memory_space<hbm>>
        %dma_start3A_220 = arith.constant 0 : i32
        %dma_start3A_221 = arith.constant 0 : i32
        %dma_start3A_222 = tpu.memref_slice %arg2[%add3A_215, %dma_start3A_220, %dma_start3A_221] : memref<2048x128x128xf32, #tpu.memory_space<hbm>> -> memref<1x128x128xf32, #tpu.memory_space<hbm>>
        %dma_start3A_223 = tpu.memref_squeeze %dma_start3A_222 : memref<1x128x128xf32, #tpu.memory_space<hbm>> -> memref<128x128xf32, #tpu.memory_space<hbm>>
        tpu.enqueue_dma source(%dma_start3A_223 : memref<128x128xf32, #tpu.memory_space<hbm>>) target(%arg6 : memref<128x128xf32, #tpu.memory_space<vmem>>) target_semaphore(%arg12 : memref<!tpu.dma_semaphore, #tpu.memory_space<semaphore_mem>>)
      } else {
      }
      %dma_wait3A_128 = arith.constant 0 : i32
      %dma_wait3A_129 = arith.constant 0 : i32
      %dma_wait3A_130 = tpu.memref_slice %arg2[%add3A_119, %dma_wait3A_128, %dma_wait3A_129] : memref<2048x128x128xf32, #tpu.memory_space<hbm>> -> memref<1x128x128xf32, #tpu.memory_space<hbm>>
      %dma_wait3A_131 = tpu.memref_squeeze %dma_wait3A_130 : memref<1x128x128xf32, #tpu.memory_space<hbm>> -> memref<128x128xf32, #tpu.memory_space<hbm>>
      %dma_wait3A_132 = arith.constant 0 : i32
      %dma_wait3A_133 = arith.constant 0 : i32
      %dma_wait3A_134 = tpu.memref_slice %arg2[%add3A_119, %dma_wait3A_132, %dma_wait3A_133] : memref<2048x128x128xf32, #tpu.memory_space<hbm>> -> memref<1x128x128xf32, #tpu.memory_space<hbm>>
      %dma_wait3A_135 = tpu.memref_squeeze %dma_wait3A_134 : memref<1x128x128xf32, #tpu.memory_space<hbm>> -> memref<128x128xf32, #tpu.memory_space<hbm>>
      tpu.wait_dma2 semaphore(%arg12 : memref<!tpu.dma_semaphore, #tpu.memory_space<semaphore_mem>>) src(%dma_wait3A_135 : memref<128x128xf32, #tpu.memory_space<hbm>>) dst(%arg7 : memref<128x128xf32, #tpu.memory_space<vmem>>)
      %sub3A_136 = arith.constant 2 : i32
      %sub3A_137 = arith.subi %add3A_119, %sub3A_136 : i32
      %ge3A_138 = arith.cmpi sge, %sub3A_137, %mul3A_2 : i32
      %convert_element_type3A_139 = arith.extui %ge3A_138 : i1 to i32
      %cond3A_140 = arith.constant 0 : i32
      %cond3A_141 = arith.cmpi ne, %convert_element_type3A_139, %cond3A_140 : i32
      scf.if %cond3A_141 {
        %sub3A_214 = arith.constant 2 : i32
        %sub3A_215 = arith.subi %add3A_119, %sub3A_214 : i32
        %dma_wait3A_216 = arith.constant 0 : i32
        %dma_wait3A_217 = tpu.memref_slice %arg5[%sub3A_215, %dma_wait3A_216] : memref<576x8128xf32, #tpu.memory_space<hbm>> -> memref<1x8128xf32, #tpu.memory_space<hbm>>
        %dma_wait3A_218 = tpu.memref_squeeze %dma_wait3A_217 : memref<1x8128xf32, #tpu.memory_space<hbm>> -> memref<8128xf32, #tpu.memory_space<hbm>>
        %dma_wait3A_219 = arith.constant 0 : i32
        %dma_wait3A_220 = tpu.memref_slice %arg5[%sub3A_215, %dma_wait3A_219] : memref<576x8128xf32, #tpu.memory_space<hbm>> -> memref<1x8128xf32, #tpu.memory_space<hbm>>
        %dma_wait3A_221 = tpu.memref_squeeze %dma_wait3A_220 : memref<1x8128xf32, #tpu.memory_space<hbm>> -> memref<8128xf32, #tpu.memory_space<hbm>>
        tpu.wait_dma2 semaphore(%arg13 : memref<!tpu.dma_semaphore, #tpu.memory_space<semaphore_mem>>) src(%arg9 : memref<8128xf32, #tpu.memory_space<vmem>>) dst(%dma_wait3A_221 : memref<8128xf32, #tpu.memory_space<hbm>>)
      } else {
      }
      %scan3A_142 = arith.constant 0 : i32
      %scan3A_143 = arith.constant 0 : i32
      %scan3A_144 = arith.constant 504 : i32
      %scan3A_145 = arith.addi %scan3A_143, %scan3A_144 : i32
      %scan3A_146 = arith.constant 8 : i32
      scf.for %scan3A_214 = %scan3A_143 to %scan3A_145 step %scan3A_146  : i32 {
        %mul3A_215 = arith.constant 16 : i32
        %mul3A_216 = arith.muli %scan3A_214, %mul3A_215 : i32
        %get3A_217 = arith.index_cast %mul3A_216 : i32 to index
        %get3A_218 = tpu.vector_load %arg10[%get3A_217] {strides = array<i32>} : memref<8128xi32, #tpu.memory_space<vmem>>, vector<16xi32>,
        %mul3A_219 = arith.constant 16 : i32
        %mul3A_220 = arith.muli %scan3A_214, %mul3A_219 : i32
        %get3A_221 = arith.index_cast %mul3A_220 : i32 to index
        %get3A_222 = tpu.vector_load %arg11[%get3A_221] {strides = array<i32>} : memref<8128xi32, #tpu.memory_space<vmem>>, vector<16xi32>,
        %gather3A_223 = tpu.vector_load_idx %arg7[%get3A_218, %get3A_222] : memref<128x128xf32, #tpu.memory_space<vmem>>[vector<16xi32>, vector<16xi32>], vector<16xf32>,
        %mul3A_224 = arith.constant 16 : i32
        %mul3A_225 = arith.muli %scan3A_214, %mul3A_224 : i32
        %swap3A_226 = arith.index_cast %mul3A_225 : i32 to index
        %swap3A_227 = tpu.vector_load %arg9[%swap3A_226] {strides = array<i32>} : memref<8128xf32, #tpu.memory_space<vmem>>, vector<16xf32>,
        tpu.vector_store %arg9[%swap3A_226], %gather3A_223 {strides = array<i32>} : memref<8128xf32, #tpu.memory_space<vmem>>, vector<16xf32>,
        %scan3A_228 = arith.constant 1 : i32
        %scan3A_229 = arith.addi %scan3A_214, %scan3A_228 : i32
        %mul3A_230 = arith.constant 16 : i32
        %mul3A_231 = arith.muli %scan3A_229, %mul3A_230 : i32
        %get3A_232 = arith.index_cast %mul3A_231 : i32 to index
        %get3A_233 = tpu.vector_load %arg10[%get3A_232] {strides = array<i32>} : memref<8128xi32, #tpu.memory_space<vmem>>, vector<16xi32>,
        %mul3A_234 = arith.constant 16 : i32
        %mul3A_235 = arith.muli %scan3A_229, %mul3A_234 : i32
        %get3A_236 = arith.index_cast %mul3A_235 : i32 to index
        %get3A_237 = tpu.vector_load %arg11[%get3A_236] {strides = array<i32>} : memref<8128xi32, #tpu.memory_space<vmem>>, vector<16xi32>,
        %gather3A_238 = tpu.vector_load_idx %arg7[%get3A_233, %get3A_237] : memref<128x128xf32, #tpu.memory_space<vmem>>[vector<16xi32>, vector<16xi32>], vector<16xf32>,
        %mul3A_239 = arith.constant 16 : i32
        %mul3A_240 = arith.muli %scan3A_229, %mul3A_239 : i32
        %swap3A_241 = arith.index_cast %mul3A_240 : i32 to index
        %swap3A_242 = tpu.vector_load %arg9[%swap3A_241] {strides = array<i32>} : memref<8128xf32, #tpu.memory_space<vmem>>, vector<16xf32>,
        tpu.vector_store %arg9[%swap3A_241], %gather3A_238 {strides = array<i32>} : memref<8128xf32, #tpu.memory_space<vmem>>, vector<16xf32>,
        %scan3A_243 = arith.constant 2 : i32
        %scan3A_244 = arith.addi %scan3A_214, %scan3A_243 : i32
        %mul3A_245 = arith.constant 16 : i32
        %mul3A_246 = arith.muli %scan3A_244, %mul3A_245 : i32
        %get3A_247 = arith.index_cast %mul3A_246 : i32 to index
        %get3A_248 = tpu.vector_load %arg10[%get3A_247] {strides = array<i32>} : memref<8128xi32, #tpu.memory_space<vmem>>, vector<16xi32>,
        %mul3A_249 = arith.constant 16 : i32
        %mul3A_250 = arith.muli %scan3A_244, %mul3A_249 : i32
        %get3A_251 = arith.index_cast %mul3A_250 : i32 to index
        %get3A_252 = tpu.vector_load %arg11[%get3A_251] {strides = array<i32>} : memref<8128xi32, #tpu.memory_space<vmem>>, vector<16xi32>,
        %gather3A_253 = tpu.vector_load_idx %arg7[%get3A_248, %get3A_252] : memref<128x128xf32, #tpu.memory_space<vmem>>[vector<16xi32>, vector<16xi32>], vector<16xf32>,
        %mul3A_254 = arith.constant 16 : i32
        %mul3A_255 = arith.muli %scan3A_244, %mul3A_254 : i32
        %swap3A_256 = arith.index_cast %mul3A_255 : i32 to index
        %swap3A_257 = tpu.vector_load %arg9[%swap3A_256] {strides = array<i32>} : memref<8128xf32, #tpu.memory_space<vmem>>, vector<16xf32>,
        tpu.vector_store %arg9[%swap3A_256], %gather3A_253 {strides = array<i32>} : memref<8128xf32, #tpu.memory_space<vmem>>, vector<16xf32>,
        %scan3A_258 = arith.constant 3 : i32
        %scan3A_259 = arith.addi %scan3A_214, %scan3A_258 : i32
        %mul3A_260 = arith.constant 16 : i32
        %mul3A_261 = arith.muli %scan3A_259, %mul3A_260 : i32
        %get3A_262 = arith.index_cast %mul3A_261 : i32 to index
        %get3A_263 = tpu.vector_load %arg10[%get3A_262] {strides = array<i32>} : memref<8128xi32, #tpu.memory_space<vmem>>, vector<16xi32>,
        %mul3A_264 = arith.constant 16 : i32
        %mul3A_265 = arith.muli %scan3A_259, %mul3A_264 : i32
        %get3A_266 = arith.index_cast %mul3A_265 : i32 to index
        %get3A_267 = tpu.vector_load %arg11[%get3A_266] {strides = array<i32>} : memref<8128xi32, #tpu.memory_space<vmem>>, vector<16xi32>,
        %gather3A_268 = tpu.vector_load_idx %arg7[%get3A_263, %get3A_267] : memref<128x128xf32, #tpu.memory_space<vmem>>[vector<16xi32>, vector<16xi32>], vector<16xf32>,
        %mul3A_269 = arith.constant 16 : i32
        %mul3A_270 = arith.muli %scan3A_259, %mul3A_269 : i32
        %swap3A_271 = arith.index_cast %mul3A_270 : i32 to index
        %swap3A_272 = tpu.vector_load %arg9[%swap3A_271] {strides = array<i32>} : memref<8128xf32, #tpu.memory_space<vmem>>, vector<16xf32>,
        tpu.vector_store %arg9[%swap3A_271], %gather3A_268 {strides = array<i32>} : memref<8128xf32, #tpu.memory_space<vmem>>, vector<16xf32>,
        %scan3A_273 = arith.constant 4 : i32
        %scan3A_274 = arith.addi %scan3A_214, %scan3A_273 : i32
        %mul3A_275 = arith.constant 16 : i32
        %mul3A_276 = arith.muli %scan3A_274, %mul3A_275 : i32
        %get3A_277 = arith.index_cast %mul3A_276 : i32 to index
        %get3A_278 = tpu.vector_load %arg10[%get3A_277] {strides = array<i32>} : memref<8128xi32, #tpu.memory_space<vmem>>, vector<16xi32>,
        %mul3A_279 = arith.constant 16 : i32
        %mul3A_280 = arith.muli %scan3A_274, %mul3A_279 : i32
        %get3A_281 = arith.index_cast %mul3A_280 : i32 to index
        %get3A_282 = tpu.vector_load %arg11[%get3A_281] {strides = array<i32>} : memref<8128xi32, #tpu.memory_space<vmem>>, vector<16xi32>,
        %gather3A_283 = tpu.vector_load_idx %arg7[%get3A_278, %get3A_282] : memref<128x128xf32, #tpu.memory_space<vmem>>[vector<16xi32>, vector<16xi32>], vector<16xf32>,
        %mul3A_284 = arith.constant 16 : i32
        %mul3A_285 = arith.muli %scan3A_274, %mul3A_284 : i32
        %swap3A_286 = arith.index_cast %mul3A_285 : i32 to index
        %swap3A_287 = tpu.vector_load %arg9[%swap3A_286] {strides = array<i32>} : memref<8128xf32, #tpu.memory_space<vmem>>, vector<16xf32>,
        tpu.vector_store %arg9[%swap3A_286], %gather3A_283 {strides = array<i32>} : memref<8128xf32, #tpu.memory_space<vmem>>, vector<16xf32>,
        %scan3A_288 = arith.constant 5 : i32
        %scan3A_289 = arith.addi %scan3A_214, %scan3A_288 : i32
        %mul3A_290 = arith.constant 16 : i32
        %mul3A_291 = arith.muli %scan3A_289, %mul3A_290 : i32
        %get3A_292 = arith.index_cast %mul3A_291 : i32 to index
        %get3A_293 = tpu.vector_load %arg10[%get3A_292] {strides = array<i32>} : memref<8128xi32, #tpu.memory_space<vmem>>, vector<16xi32>,
        %mul3A_294 = arith.constant 16 : i32
        %mul3A_295 = arith.muli %scan3A_289, %mul3A_294 : i32
        %get3A_296 = arith.index_cast %mul3A_295 : i32 to index
        %get3A_297 = tpu.vector_load %arg11[%get3A_296] {strides = array<i32>} : memref<8128xi32, #tpu.memory_space<vmem>>, vector<16xi32>,
        %gather3A_298 = tpu.vector_load_idx %arg7[%get3A_293, %get3A_297] : memref<128x128xf32, #tpu.memory_space<vmem>>[vector<16xi32>, vector<16xi32>], vector<16xf32>,
        %mul3A_299 = arith.constant 16 : i32
        %mul3A_300 = arith.muli %scan3A_289, %mul3A_299 : i32
        %swap3A_301 = arith.index_cast %mul3A_300 : i32 to index
        %swap3A_302 = tpu.vector_load %arg9[%swap3A_301] {strides = array<i32>} : memref<8128xf32, #tpu.memory_space<vmem>>, vector<16xf32>,
        tpu.vector_store %arg9[%swap3A_301], %gather3A_298 {strides = array<i32>} : memref<8128xf32, #tpu.memory_space<vmem>>, vector<16xf32>,
        %scan3A_303 = arith.constant 6 : i32
        %scan3A_304 = arith.addi %scan3A_214, %scan3A_303 : i32
        %mul3A_305 = arith.constant 16 : i32
        %mul3A_306 = arith.muli %scan3A_304, %mul3A_305 : i32
        %get3A_307 = arith.index_cast %mul3A_306 : i32 to index
        %get3A_308 = tpu.vector_load %arg10[%get3A_307] {strides = array<i32>} : memref<8128xi32, #tpu.memory_space<vmem>>, vector<16xi32>,
        %mul3A_309 = arith.constant 16 : i32
        %mul3A_310 = arith.muli %scan3A_304, %mul3A_309 : i32
        %get3A_311 = arith.index_cast %mul3A_310 : i32 to index
        %get3A_312 = tpu.vector_load %arg11[%get3A_311] {strides = array<i32>} : memref<8128xi32, #tpu.memory_space<vmem>>, vector<16xi32>,
        %gather3A_313 = tpu.vector_load_idx %arg7[%get3A_308, %get3A_312] : memref<128x128xf32, #tpu.memory_space<vmem>>[vector<16xi32>, vector<16xi32>], vector<16xf32>,
        %mul3A_314 = arith.constant 16 : i32
        %mul3A_315 = arith.muli %scan3A_304, %mul3A_314 : i32
        %swap3A_316 = arith.index_cast %mul3A_315 : i32 to index
        %swap3A_317 = tpu.vector_load %arg9[%swap3A_316] {strides = array<i32>} : memref<8128xf32, #tpu.memory_space<vmem>>, vector<16xf32>,
        tpu.vector_store %arg9[%swap3A_316], %gather3A_313 {strides = array<i32>} : memref<8128xf32, #tpu.memory_space<vmem>>, vector<16xf32>,
        %scan3A_318 = arith.constant 7 : i32
        %scan3A_319 = arith.addi %scan3A_214, %scan3A_318 : i32
        %mul3A_320 = arith.constant 16 : i32
        %mul3A_321 = arith.muli %scan3A_319, %mul3A_320 : i32
        %get3A_322 = arith.index_cast %mul3A_321 : i32 to index
        %get3A_323 = tpu.vector_load %arg10[%get3A_322] {strides = array<i32>} : memref<8128xi32, #tpu.memory_space<vmem>>, vector<16xi32>,
        %mul3A_324 = arith.constant 16 : i32
        %mul3A_325 = arith.muli %scan3A_319, %mul3A_324 : i32
        %get3A_326 = arith.index_cast %mul3A_325 : i32 to index
        %get3A_327 = tpu.vector_load %arg11[%get3A_326] {strides = array<i32>} : memref<8128xi32, #tpu.memory_space<vmem>>, vector<16xi32>,
        %gather3A_328 = tpu.vector_load_idx %arg7[%get3A_323, %get3A_327] : memref<128x128xf32, #tpu.memory_space<vmem>>[vector<16xi32>, vector<16xi32>], vector<16xf32>,
        %mul3A_329 = arith.constant 16 : i32
        %mul3A_330 = arith.muli %scan3A_319, %mul3A_329 : i32
        %swap3A_331 = arith.index_cast %mul3A_330 : i32 to index
        %swap3A_332 = tpu.vector_load %arg9[%swap3A_331] {strides = array<i32>} : memref<8128xf32, #tpu.memory_space<vmem>>, vector<16xf32>,
        tpu.vector_store %arg9[%swap3A_331], %gather3A_328 {strides = array<i32>} : memref<8128xf32, #tpu.memory_space<vmem>>, vector<16xf32>,
      }
      %scan3A_147 = arith.constant 504 : i32
      %scan3A_148 = arith.addi %scan3A_143, %scan3A_147 : i32
      %mul3A_149 = arith.constant 16 : i32
      %mul3A_150 = arith.muli %scan3A_148, %mul3A_149 : i32
      %get3A_151 = arith.index_cast %mul3A_150 : i32 to index
      %get3A_152 = tpu.vector_load %arg10[%get3A_151] {strides = array<i32>} : memref<8128xi32, #tpu.memory_space<vmem>>, vector<16xi32>,
      %mul3A_153 = arith.constant 16 : i32
      %mul3A_154 = arith.muli %scan3A_148, %mul3A_153 : i32
      %get3A_155 = arith.index_cast %mul3A_154 : i32 to index
      %get3A_156 = tpu.vector_load %arg11[%get3A_155] {strides = array<i32>} : memref<8128xi32, #tpu.memory_space<vmem>>, vector<16xi32>,
      %gather3A_157 = tpu.vector_load_idx %arg7[%get3A_152, %get3A_156] : memref<128x128xf32, #tpu.memory_space<vmem>>[vector<16xi32>, vector<16xi32>], vector<16xf32>,
      %mul3A_158 = arith.constant 16 : i32
      %mul3A_159 = arith.muli %scan3A_148, %mul3A_158 : i32
      %swap3A_160 = arith.index_cast %mul3A_159 : i32 to index
      %swap3A_161 = tpu.vector_load %arg9[%swap3A_160] {strides = array<i32>} : memref<8128xf32, #tpu.memory_space<vmem>>, vector<16xf32>,
      tpu.vector_store %arg9[%swap3A_160], %gather3A_157 {strides = array<i32>} : memref<8128xf32, #tpu.memory_space<vmem>>, vector<16xf32>,
      %scan3A_162 = arith.constant 505 : i32
      %scan3A_163 = arith.addi %scan3A_143, %scan3A_162 : i32
      %mul3A_164 = arith.constant 16 : i32
      %mul3A_165 = arith.muli %scan3A_163, %mul3A_164 : i32
      %get3A_166 = arith.index_cast %mul3A_165 : i32 to index
      %get3A_167 = tpu.vector_load %arg10[%get3A_166] {strides = array<i32>} : memref<8128xi32, #tpu.memory_space<vmem>>, vector<16xi32>,
      %mul3A_168 = arith.constant 16 : i32
      %mul3A_169 = arith.muli %scan3A_163, %mul3A_168 : i32
      %get3A_170 = arith.index_cast %mul3A_169 : i32 to index
      %get3A_171 = tpu.vector_load %arg11[%get3A_170] {strides = array<i32>} : memref<8128xi32, #tpu.memory_space<vmem>>, vector<16xi32>,
      %gather3A_172 = tpu.vector_load_idx %arg7[%get3A_167, %get3A_171] : memref<128x128xf32, #tpu.memory_space<vmem>>[vector<16xi32>, vector<16xi32>], vector<16xf32>,
      %mul3A_173 = arith.constant 16 : i32
      %mul3A_174 = arith.muli %scan3A_163, %mul3A_173 : i32
      %swap3A_175 = arith.index_cast %mul3A_174 : i32 to index
      %swap3A_176 = tpu.vector_load %arg9[%swap3A_175] {strides = array<i32>} : memref<8128xf32, #tpu.memory_space<vmem>>, vector<16xf32>,
      tpu.vector_store %arg9[%swap3A_175], %gather3A_172 {strides = array<i32>} : memref<8128xf32, #tpu.memory_space<vmem>>, vector<16xf32>,
      %scan3A_177 = arith.constant 506 : i32
      %scan3A_178 = arith.addi %scan3A_143, %scan3A_177 : i32
      %mul3A_179 = arith.constant 16 : i32
      %mul3A_180 = arith.muli %scan3A_178, %mul3A_179 : i32
      %get3A_181 = arith.index_cast %mul3A_180 : i32 to index
      %get3A_182 = tpu.vector_load %arg10[%get3A_181] {strides = array<i32>} : memref<8128xi32, #tpu.memory_space<vmem>>, vector<16xi32>,
      %mul3A_183 = arith.constant 16 : i32
      %mul3A_184 = arith.muli %scan3A_178, %mul3A_183 : i32
      %get3A_185 = arith.index_cast %mul3A_184 : i32 to index
      %get3A_186 = tpu.vector_load %arg11[%get3A_185] {strides = array<i32>} : memref<8128xi32, #tpu.memory_space<vmem>>, vector<16xi32>,
      %gather3A_187 = tpu.vector_load_idx %arg7[%get3A_182, %get3A_186] : memref<128x128xf32, #tpu.memory_space<vmem>>[vector<16xi32>, vector<16xi32>], vector<16xf32>,
      %mul3A_188 = arith.constant 16 : i32
      %mul3A_189 = arith.muli %scan3A_178, %mul3A_188 : i32
      %swap3A_190 = arith.index_cast %mul3A_189 : i32 to index
      %swap3A_191 = tpu.vector_load %arg9[%swap3A_190] {strides = array<i32>} : memref<8128xf32, #tpu.memory_space<vmem>>, vector<16xf32>,
      tpu.vector_store %arg9[%swap3A_190], %gather3A_187 {strides = array<i32>} : memref<8128xf32, #tpu.memory_space<vmem>>, vector<16xf32>,
      %scan3A_192 = arith.constant 507 : i32
      %scan3A_193 = arith.addi %scan3A_143, %scan3A_192 : i32
      %mul3A_194 = arith.constant 16 : i32
      %mul3A_195 = arith.muli %scan3A_193, %mul3A_194 : i32
      %get3A_196 = arith.index_cast %mul3A_195 : i32 to index
      %get3A_197 = tpu.vector_load %arg10[%get3A_196] {strides = array<i32>} : memref<8128xi32, #tpu.memory_space<vmem>>, vector<16xi32>,
      %mul3A_198 = arith.constant 16 : i32
      %mul3A_199 = arith.muli %scan3A_193, %mul3A_198 : i32
      %get3A_200 = arith.index_cast %mul3A_199 : i32 to index
      %get3A_201 = tpu.vector_load %arg11[%get3A_200] {strides = array<i32>} : memref<8128xi32, #tpu.memory_space<vmem>>, vector<16xi32>,
      %gather3A_202 = tpu.vector_load_idx %arg7[%get3A_197, %get3A_201] : memref<128x128xf32, #tpu.memory_space<vmem>>[vector<16xi32>, vector<16xi32>], vector<16xf32>,
      %mul3A_203 = arith.constant 16 : i32
      %mul3A_204 = arith.muli %scan3A_193, %mul3A_203 : i32
      %swap3A_205 = arith.index_cast %mul3A_204 : i32 to index
      %swap3A_206 = tpu.vector_load %arg9[%swap3A_205] {strides = array<i32>} : memref<8128xf32, #tpu.memory_space<vmem>>, vector<16xf32>,
      tpu.vector_store %arg9[%swap3A_205], %gather3A_202 {strides = array<i32>} : memref<8128xf32, #tpu.memory_space<vmem>>, vector<16xf32>,
      %scan3A_207 = arith.constant 508 : i32
      %dma_start3A_208 = arith.constant 0 : i32
      %dma_start3A_209 = tpu.memref_slice %arg5[%add3A_119, %dma_start3A_208] : memref<576x8128xf32, #tpu.memory_space<hbm>> -> memref<1x8128xf32, #tpu.memory_space<hbm>>
      %dma_start3A_210 = tpu.memref_squeeze %dma_start3A_209 : memref<1x8128xf32, #tpu.memory_space<hbm>> -> memref<8128xf32, #tpu.memory_space<hbm>>
      %dma_start3A_211 = arith.constant 0 : i32
      %dma_start3A_212 = tpu.memref_slice %arg5[%add3A_119, %dma_start3A_211] : memref<576x8128xf32, #tpu.memory_space<hbm>> -> memref<1x8128xf32, #tpu.memory_space<hbm>>
      %dma_start3A_213 = tpu.memref_squeeze %dma_start3A_212 : memref<1x8128xf32, #tpu.memory_space<hbm>> -> memref<8128xf32, #tpu.memory_space<hbm>>
      tpu.enqueue_dma source(%arg9 : memref<8128xf32, #tpu.memory_space<vmem>>) target(%dma_start3A_213 : memref<8128xf32, #tpu.memory_space<hbm>>) target_semaphore(%arg13 : memref<!tpu.dma_semaphore, #tpu.memory_space<semaphore_mem>>)
    }
    %scan3A_14 = arith.constant 9 : i32
    %dma_wait3A = arith.constant 0 : i32
    %dma_wait3A_15 = tpu.memref_slice %arg5[%mul3A_2, %dma_wait3A] : memref<576x8128xf32, #tpu.memory_space<hbm>> -> memref<1x8128xf32, #tpu.memory_space<hbm>>
    %dma_wait3A_16 = tpu.memref_squeeze %dma_wait3A_15 : memref<1x8128xf32, #tpu.memory_space<hbm>> -> memref<8128xf32, #tpu.memory_space<hbm>>
    %dma_wait3A_17 = arith.constant 0 : i32
    %dma_wait3A_18 = tpu.memref_slice %arg5[%mul3A_2, %dma_wait3A_17] : memref<576x8128xf32, #tpu.memory_space<hbm>> -> memref<1x8128xf32, #tpu.memory_space<hbm>>
    %dma_wait3A_19 = tpu.memref_squeeze %dma_wait3A_18 : memref<1x8128xf32, #tpu.memory_space<hbm>> -> memref<8128xf32, #tpu.memory_space<hbm>>
    tpu.wait_dma2 semaphore(%arg13 : memref<!tpu.dma_semaphore, #tpu.memory_space<semaphore_mem>>) src(%arg8 : memref<8128xf32, #tpu.memory_space<vmem>>) dst(%dma_wait3A_19 : memref<8128xf32, #tpu.memory_space<hbm>>)
    %dma_wait3A_20 = arith.constant 0 : i32
    %dma_wait3A_21 = tpu.memref_slice %arg5[%mul3A_2, %dma_wait3A_20] : memref<576x8128xf32, #tpu.memory_space<hbm>> -> memref<1x8128xf32, #tpu.memory_space<hbm>>
    %dma_wait3A_22 = tpu.memref_squeeze %dma_wait3A_21 : memref<1x8128xf32, #tpu.memory_space<hbm>> -> memref<8128xf32, #tpu.memory_space<hbm>>
    %dma_wait3A_23 = arith.constant 0 : i32
    %dma_wait3A_24 = tpu.memref_slice %arg5[%mul3A_2, %dma_wait3A_23] : memref<576x8128xf32, #tpu.memory_space<hbm>> -> memref<1x8128xf32, #tpu.memory_space<hbm>>
    %dma_wait3A_25 = tpu.memref_squeeze %dma_wait3A_24 : memref<1x8128xf32, #tpu.memory_space<hbm>> -> memref<8128xf32, #tpu.memory_space<hbm>>
    tpu.wait_dma2 semaphore(%arg13 : memref<!tpu.dma_semaphore, #tpu.memory_space<semaphore_mem>>) src(%arg9 : memref<8128xf32, #tpu.memory_space<vmem>>) dst(%dma_wait3A_25 : memref<8128xf32, #tpu.memory_space<hbm>>)
    return
  }
}

module attributes {stable_mosaic.version = 14 : i64} {
  func.func @_tc_body(%arg0: i32, %arg1: memref<16x128x128xf32, #tpu.memory_space<vmem>>, %arg2: memref<16x8128xf32, #tpu.memory_space<vmem>>) attributes {dimension_semantics = [#tpu.dimension_semantics<arbitrary>], iteration_bounds = array<i64: 92>, scalar_prefetch = 0 : i64, scratch_operands = 0 : i64, tpu.core_type = #tpu.core_type<tc>, window_params = [{transform_indices = @transform_0, window_bounds = array<i64: 16, 128, 128>}, {transform_indices = @transform_1, window_bounds = array<i64: 16, 8128>}]} {
    %get3A = arith.constant 0 : index
    %get3A_0 = arith.constant 0 : index
    %get3A_1 = arith.constant 1 : index
    %get3A_2 = vector.load %arg1[%get3A, %get3A_0, %get3A_1] : memref<16x128x128xf32, #tpu.memory_space<vmem>>, vector<16x1x127xf32>
    %get3A_3 = vector.shape_cast %get3A_2 : vector<16x1x127xf32> to vector<16x127xf32>
    %swap3A = arith.constant 0 : index
    %swap3A_4 = arith.constant 0 : index
    %swap3A_5 = vector.load %arg2[%swap3A, %swap3A_4] : memref<16x8128xf32, #tpu.memory_space<vmem>>, vector<16x127xf32>
    tpu.vector_store %arg2[%swap3A, %swap3A_4], %get3A_3 {strides = array<i32>} : memref<16x8128xf32, #tpu.memory_space<vmem>>, vector<16x127xf32>,
    %get3A_6 = arith.constant 0 : index
    %get3A_7 = arith.constant 1 : index
    %get3A_8 = arith.constant 2 : index
    %get3A_9 = vector.load %arg1[%get3A_6, %get3A_7, %get3A_8] : memref<16x128x128xf32, #tpu.memory_space<vmem>>, vector<16x1x126xf32>
    %get3A_10 = vector.shape_cast %get3A_9 : vector<16x1x126xf32> to vector<16x126xf32>
    %swap3A_11 = arith.constant 0 : index
    %swap3A_12 = arith.constant 127 : index
    %swap3A_13 = vector.load %arg2[%swap3A_11, %swap3A_12] : memref<16x8128xf32, #tpu.memory_space<vmem>>, vector<16x126xf32>
    tpu.vector_store %arg2[%swap3A_11, %swap3A_12], %get3A_10 {strides = array<i32>} : memref<16x8128xf32, #tpu.memory_space<vmem>>, vector<16x126xf32>,
    %get3A_14 = arith.constant 0 : index
    %get3A_15 = arith.constant 2 : index
    %get3A_16 = arith.constant 3 : index
    %get3A_17 = vector.load %arg1[%get3A_14, %get3A_15, %get3A_16] : memref<16x128x128xf32, #tpu.memory_space<vmem>>, vector<16x1x125xf32>
    %get3A_18 = vector.shape_cast %get3A_17 : vector<16x1x125xf32> to vector<16x125xf32>
    %swap3A_19 = arith.constant 0 : index
    %swap3A_20 = arith.constant 253 : index
    %swap3A_21 = vector.load %arg2[%swap3A_19, %swap3A_20] : memref<16x8128xf32, #tpu.memory_space<vmem>>, vector<16x125xf32>
    tpu.vector_store %arg2[%swap3A_19, %swap3A_20], %get3A_18 {strides = array<i32>} : memref<16x8128xf32, #tpu.memory_space<vmem>>, vector<16x125xf32>,
    %get3A_22 = arith.constant 0 : index
    %get3A_23 = arith.constant 3 : index
    %get3A_24 = arith.constant 4 : index
    %get3A_25 = vector.load %arg1[%get3A_22, %get3A_23, %get3A_24] : memref<16x128x128xf32, #tpu.memory_space<vmem>>, vector<16x1x124xf32>
    %get3A_26 = vector.shape_cast %get3A_25 : vector<16x1x124xf32> to vector<16x124xf32>
    %swap3A_27 = arith.constant 0 : index
    %swap3A_28 = arith.constant 378 : index
    %swap3A_29 = vector.load %arg2[%swap3A_27, %swap3A_28] : memref<16x8128xf32, #tpu.memory_space<vmem>>, vector<16x124xf32>
    tpu.vector_store %arg2[%swap3A_27, %swap3A_28], %get3A_26 {strides = array<i32>} : memref<16x8128xf32, #tpu.memory_space<vmem>>, vector<16x124xf32>,
    %get3A_30 = arith.constant 0 : index
    %get3A_31 = arith.constant 4 : index
    %get3A_32 = arith.constant 5 : index
    %get3A_33 = vector.load %arg1[%get3A_30, %get3A_31, %get3A_32] : memref<16x128x128xf32, #tpu.memory_space<vmem>>, vector<16x1x123xf32>
    %get3A_34 = vector.shape_cast %get3A_33 : vector<16x1x123xf32> to vector<16x123xf32>
    %swap3A_35 = arith.constant 0 : index
    %swap3A_36 = arith.constant 502 : index
    %swap3A_37 = vector.load %arg2[%swap3A_35, %swap3A_36] : memref<16x8128xf32, #tpu.memory_space<vmem>>, vector<16x123xf32>
    tpu.vector_store %arg2[%swap3A_35, %swap3A_36], %get3A_34 {strides = array<i32>} : memref<16x8128xf32, #tpu.memory_space<vmem>>, vector<16x123xf32>,
    %get3A_38 = arith.constant 0 : index
    %get3A_39 = arith.constant 5 : index
    %get3A_40 = arith.constant 6 : index
    %get3A_41 = vector.load %arg1[%get3A_38, %get3A_39, %get3A_40] : memref<16x128x128xf32, #tpu.memory_space<vmem>>, vector<16x1x122xf32>
    %get3A_42 = vector.shape_cast %get3A_41 : vector<16x1x122xf32> to vector<16x122xf32>
    %swap3A_43 = arith.constant 0 : index
    %swap3A_44 = arith.constant 625 : index
    %swap3A_45 = vector.load %arg2[%swap3A_43, %swap3A_44] : memref<16x8128xf32, #tpu.memory_space<vmem>>, vector<16x122xf32>
    tpu.vector_store %arg2[%swap3A_43, %swap3A_44], %get3A_42 {strides = array<i32>} : memref<16x8128xf32, #tpu.memory_space<vmem>>, vector<16x122xf32>,
    %get3A_46 = arith.constant 0 : index
    %get3A_47 = arith.constant 6 : index
    %get3A_48 = arith.constant 7 : index
    %get3A_49 = vector.load %arg1[%get3A_46, %get3A_47, %get3A_48] : memref<16x128x128xf32, #tpu.memory_space<vmem>>, vector<16x1x121xf32>
    %get3A_50 = vector.shape_cast %get3A_49 : vector<16x1x121xf32> to vector<16x121xf32>
    %swap3A_51 = arith.constant 0 : index
    %swap3A_52 = arith.constant 747 : index
    %swap3A_53 = vector.load %arg2[%swap3A_51, %swap3A_52] : memref<16x8128xf32, #tpu.memory_space<vmem>>, vector<16x121xf32>
    tpu.vector_store %arg2[%swap3A_51, %swap3A_52], %get3A_50 {strides = array<i32>} : memref<16x8128xf32, #tpu.memory_space<vmem>>, vector<16x121xf32>,
    %get3A_54 = arith.constant 0 : index
    %get3A_55 = arith.constant 7 : index
    %get3A_56 = arith.constant 8 : index
    %get3A_57 = vector.load %arg1[%get3A_54, %get3A_55, %get3A_56] : memref<16x128x128xf32, #tpu.memory_space<vmem>>, vector<16x1x120xf32>
    %get3A_58 = vector.shape_cast %get3A_57 : vector<16x1x120xf32> to vector<16x120xf32>
    %swap3A_59 = arith.constant 0 : index
    %swap3A_60 = arith.constant 868 : index
    %swap3A_61 = vector.load %arg2[%swap3A_59, %swap3A_60] : memref<16x8128xf32, #tpu.memory_space<vmem>>, vector<16x120xf32>
    tpu.vector_store %arg2[%swap3A_59, %swap3A_60], %get3A_58 {strides = array<i32>} : memref<16x8128xf32, #tpu.memory_space<vmem>>, vector<16x120xf32>,
    %get3A_62 = arith.constant 0 : index
    %get3A_63 = arith.constant 8 : index
    %get3A_64 = arith.constant 9 : index
    %get3A_65 = vector.load %arg1[%get3A_62, %get3A_63, %get3A_64] : memref<16x128x128xf32, #tpu.memory_space<vmem>>, vector<16x1x119xf32>
    %get3A_66 = vector.shape_cast %get3A_65 : vector<16x1x119xf32> to vector<16x119xf32>
    %swap3A_67 = arith.constant 0 : index
    %swap3A_68 = arith.constant 988 : index
    %swap3A_69 = vector.load %arg2[%swap3A_67, %swap3A_68] : memref<16x8128xf32, #tpu.memory_space<vmem>>, vector<16x119xf32>
    tpu.vector_store %arg2[%swap3A_67, %swap3A_68], %get3A_66 {strides = array<i32>} : memref<16x8128xf32, #tpu.memory_space<vmem>>, vector<16x119xf32>,
    %get3A_70 = arith.constant 0 : index
    %get3A_71 = arith.constant 9 : index
    %get3A_72 = arith.constant 10 : index
    %get3A_73 = vector.load %arg1[%get3A_70, %get3A_71, %get3A_72] : memref<16x128x128xf32, #tpu.memory_space<vmem>>, vector<16x1x118xf32>
    %get3A_74 = vector.shape_cast %get3A_73 : vector<16x1x118xf32> to vector<16x118xf32>
    %swap3A_75 = arith.constant 0 : index
    %swap3A_76 = arith.constant 1107 : index
    %swap3A_77 = vector.load %arg2[%swap3A_75, %swap3A_76] : memref<16x8128xf32, #tpu.memory_space<vmem>>, vector<16x118xf32>
    tpu.vector_store %arg2[%swap3A_75, %swap3A_76], %get3A_74 {strides = array<i32>} : memref<16x8128xf32, #tpu.memory_space<vmem>>, vector<16x118xf32>,
    %get3A_78 = arith.constant 0 : index
    %get3A_79 = arith.constant 10 : index
    %get3A_80 = arith.constant 11 : index
    %get3A_81 = vector.load %arg1[%get3A_78, %get3A_79, %get3A_80] : memref<16x128x128xf32, #tpu.memory_space<vmem>>, vector<16x1x117xf32>
    %get3A_82 = vector.shape_cast %get3A_81 : vector<16x1x117xf32> to vector<16x117xf32>
    %swap3A_83 = arith.constant 0 : index
    %swap3A_84 = arith.constant 1225 : index
    %swap3A_85 = vector.load %arg2[%swap3A_83, %swap3A_84] : memref<16x8128xf32, #tpu.memory_space<vmem>>, vector<16x117xf32>
    tpu.vector_store %arg2[%swap3A_83, %swap3A_84], %get3A_82 {strides = array<i32>} : memref<16x8128xf32, #tpu.memory_space<vmem>>, vector<16x117xf32>,
    %get3A_86 = arith.constant 0 : index
    %get3A_87 = arith.constant 11 : index
    %get3A_88 = arith.constant 12 : index
    %get3A_89 = vector.load %arg1[%get3A_86, %get3A_87, %get3A_88] : memref<16x128x128xf32, #tpu.memory_space<vmem>>, vector<16x1x116xf32>
    %get3A_90 = vector.shape_cast %get3A_89 : vector<16x1x116xf32> to vector<16x116xf32>
    %swap3A_91 = arith.constant 0 : index
    %swap3A_92 = arith.constant 1342 : index
    %swap3A_93 = vector.load %arg2[%swap3A_91, %swap3A_92] : memref<16x8128xf32, #tpu.memory_space<vmem>>, vector<16x116xf32>
    tpu.vector_store %arg2[%swap3A_91, %swap3A_92], %get3A_90 {strides = array<i32>} : memref<16x8128xf32, #tpu.memory_space<vmem>>, vector<16x116xf32>,
    %get3A_94 = arith.constant 0 : index
    %get3A_95 = arith.constant 12 : index
    %get3A_96 = arith.constant 13 : index
    %get3A_97 = vector.load %arg1[%get3A_94, %get3A_95, %get3A_96] : memref<16x128x128xf32, #tpu.memory_space<vmem>>, vector<16x1x115xf32>
    %get3A_98 = vector.shape_cast %get3A_97 : vector<16x1x115xf32> to vector<16x115xf32>
    %swap3A_99 = arith.constant 0 : index
    %swap3A_100 = arith.constant 1458 : index
    %swap3A_101 = vector.load %arg2[%swap3A_99, %swap3A_100] : memref<16x8128xf32, #tpu.memory_space<vmem>>, vector<16x115xf32>
    tpu.vector_store %arg2[%swap3A_99, %swap3A_100], %get3A_98 {strides = array<i32>} : memref<16x8128xf32, #tpu.memory_space<vmem>>, vector<16x115xf32>,
    %get3A_102 = arith.constant 0 : index
    %get3A_103 = arith.constant 13 : index
    %get3A_104 = arith.constant 14 : index
    %get3A_105 = vector.load %arg1[%get3A_102, %get3A_103, %get3A_104] : memref<16x128x128xf32, #tpu.memory_space<vmem>>, vector<16x1x114xf32>
    %get3A_106 = vector.shape_cast %get3A_105 : vector<16x1x114xf32> to vector<16x114xf32>
    %swap3A_107 = arith.constant 0 : index
    %swap3A_108 = arith.constant 1573 : index
    %swap3A_109 = vector.load %arg2[%swap3A_107, %swap3A_108] : memref<16x8128xf32, #tpu.memory_space<vmem>>, vector<16x114xf32>
    tpu.vector_store %arg2[%swap3A_107, %swap3A_108], %get3A_106 {strides = array<i32>} : memref<16x8128xf32, #tpu.memory_space<vmem>>, vector<16x114xf32>,
    %get3A_110 = arith.constant 0 : index
    %get3A_111 = arith.constant 14 : index
    %get3A_112 = arith.constant 15 : index
    %get3A_113 = vector.load %arg1[%get3A_110, %get3A_111, %get3A_112] : memref<16x128x128xf32, #tpu.memory_space<vmem>>, vector<16x1x113xf32>
    %get3A_114 = vector.shape_cast %get3A_113 : vector<16x1x113xf32> to vector<16x113xf32>
    %swap3A_115 = arith.constant 0 : index
    %swap3A_116 = arith.constant 1687 : index
    %swap3A_117 = vector.load %arg2[%swap3A_115, %swap3A_116] : memref<16x8128xf32, #tpu.memory_space<vmem>>, vector<16x113xf32>
    tpu.vector_store %arg2[%swap3A_115, %swap3A_116], %get3A_114 {strides = array<i32>} : memref<16x8128xf32, #tpu.memory_space<vmem>>, vector<16x113xf32>,
    %get3A_118 = arith.constant 0 : index
    %get3A_119 = arith.constant 15 : index
    %get3A_120 = arith.constant 16 : index
    %get3A_121 = vector.load %arg1[%get3A_118, %get3A_119, %get3A_120] : memref<16x128x128xf32, #tpu.memory_space<vmem>>, vector<16x1x112xf32>
    %get3A_122 = vector.shape_cast %get3A_121 : vector<16x1x112xf32> to vector<16x112xf32>
    %swap3A_123 = arith.constant 0 : index
    %swap3A_124 = arith.constant 1800 : index
    %swap3A_125 = vector.load %arg2[%swap3A_123, %swap3A_124] : memref<16x8128xf32, #tpu.memory_space<vmem>>, vector<16x112xf32>
    tpu.vector_store %arg2[%swap3A_123, %swap3A_124], %get3A_122 {strides = array<i32>} : memref<16x8128xf32, #tpu.memory_space<vmem>>, vector<16x112xf32>,
    %get3A_126 = arith.constant 0 : index
    %get3A_127 = arith.constant 16 : index
    %get3A_128 = arith.constant 17 : index
    %get3A_129 = vector.load %arg1[%get3A_126, %get3A_127, %get3A_128] : memref<16x128x128xf32, #tpu.memory_space<vmem>>, vector<16x1x111xf32>
    %get3A_130 = vector.shape_cast %get3A_129 : vector<16x1x111xf32> to vector<16x111xf32>
    %swap3A_131 = arith.constant 0 : index
    %swap3A_132 = arith.constant 1912 : index
    %swap3A_133 = vector.load %arg2[%swap3A_131, %swap3A_132] : memref<16x8128xf32, #tpu.memory_space<vmem>>, vector<16x111xf32>
    tpu.vector_store %arg2[%swap3A_131, %swap3A_132], %get3A_130 {strides = array<i32>} : memref<16x8128xf32, #tpu.memory_space<vmem>>, vector<16x111xf32>,
    %get3A_134 = arith.constant 0 : index
    %get3A_135 = arith.constant 17 : index
    %get3A_136 = arith.constant 18 : index
    %get3A_137 = vector.load %arg1[%get3A_134, %get3A_135, %get3A_136] : memref<16x128x128xf32, #tpu.memory_space<vmem>>, vector<16x1x110xf32>
    %get3A_138 = vector.shape_cast %get3A_137 : vector<16x1x110xf32> to vector<16x110xf32>
    %swap3A_139 = arith.constant 0 : index
    %swap3A_140 = arith.constant 2023 : index
    %swap3A_141 = vector.load %arg2[%swap3A_139, %swap3A_140] : memref<16x8128xf32, #tpu.memory_space<vmem>>, vector<16x110xf32>
    tpu.vector_store %arg2[%swap3A_139, %swap3A_140], %get3A_138 {strides = array<i32>} : memref<16x8128xf32, #tpu.memory_space<vmem>>, vector<16x110xf32>,
    %get3A_142 = arith.constant 0 : index
    %get3A_143 = arith.constant 18 : index
    %get3A_144 = arith.constant 19 : index
    %get3A_145 = vector.load %arg1[%get3A_142, %get3A_143, %get3A_144] : memref<16x128x128xf32, #tpu.memory_space<vmem>>, vector<16x1x109xf32>
    %get3A_146 = vector.shape_cast %get3A_145 : vector<16x1x109xf32> to vector<16x109xf32>
    %swap3A_147 = arith.constant 0 : index
    %swap3A_148 = arith.constant 2133 : index
    %swap3A_149 = vector.load %arg2[%swap3A_147, %swap3A_148] : memref<16x8128xf32, #tpu.memory_space<vmem>>, vector<16x109xf32>
    tpu.vector_store %arg2[%swap3A_147, %swap3A_148], %get3A_146 {strides = array<i32>} : memref<16x8128xf32, #tpu.memory_space<vmem>>, vector<16x109xf32>,
    %get3A_150 = arith.constant 0 : index
    %get3A_151 = arith.constant 19 : index
    %get3A_152 = arith.constant 20 : index
    %get3A_153 = vector.load %arg1[%get3A_150, %get3A_151, %get3A_152] : memref<16x128x128xf32, #tpu.memory_space<vmem>>, vector<16x1x108xf32>
    %get3A_154 = vector.shape_cast %get3A_153 : vector<16x1x108xf32> to vector<16x108xf32>
    %swap3A_155 = arith.constant 0 : index
    %swap3A_156 = arith.constant 2242 : index
    %swap3A_157 = vector.load %arg2[%swap3A_155, %swap3A_156] : memref<16x8128xf32, #tpu.memory_space<vmem>>, vector<16x108xf32>
    tpu.vector_store %arg2[%swap3A_155, %swap3A_156], %get3A_154 {strides = array<i32>} : memref<16x8128xf32, #tpu.memory_space<vmem>>, vector<16x108xf32>,
    %get3A_158 = arith.constant 0 : index
    %get3A_159 = arith.constant 20 : index
    %get3A_160 = arith.constant 21 : index
    %get3A_161 = vector.load %arg1[%get3A_158, %get3A_159, %get3A_160] : memref<16x128x128xf32, #tpu.memory_space<vmem>>, vector<16x1x107xf32>
    %get3A_162 = vector.shape_cast %get3A_161 : vector<16x1x107xf32> to vector<16x107xf32>
    %swap3A_163 = arith.constant 0 : index
    %swap3A_164 = arith.constant 2350 : index
    %swap3A_165 = vector.load %arg2[%swap3A_163, %swap3A_164] : memref<16x8128xf32, #tpu.memory_space<vmem>>, vector<16x107xf32>
    tpu.vector_store %arg2[%swap3A_163, %swap3A_164], %get3A_162 {strides = array<i32>} : memref<16x8128xf32, #tpu.memory_space<vmem>>, vector<16x107xf32>,
    %get3A_166 = arith.constant 0 : index
    %get3A_167 = arith.constant 21 : index
    %get3A_168 = arith.constant 22 : index
    %get3A_169 = vector.load %arg1[%get3A_166, %get3A_167, %get3A_168] : memref<16x128x128xf32, #tpu.memory_space<vmem>>, vector<16x1x106xf32>
    %get3A_170 = vector.shape_cast %get3A_169 : vector<16x1x106xf32> to vector<16x106xf32>
    %swap3A_171 = arith.constant 0 : index
    %swap3A_172 = arith.constant 2457 : index
    %swap3A_173 = vector.load %arg2[%swap3A_171, %swap3A_172] : memref<16x8128xf32, #tpu.memory_space<vmem>>, vector<16x106xf32>
    tpu.vector_store %arg2[%swap3A_171, %swap3A_172], %get3A_170 {strides = array<i32>} : memref<16x8128xf32, #tpu.memory_space<vmem>>, vector<16x106xf32>,
    %get3A_174 = arith.constant 0 : index
    %get3A_175 = arith.constant 22 : index
    %get3A_176 = arith.constant 23 : index
    %get3A_177 = vector.load %arg1[%get3A_174, %get3A_175, %get3A_176] : memref<16x128x128xf32, #tpu.memory_space<vmem>>, vector<16x1x105xf32>
    %get3A_178 = vector.shape_cast %get3A_177 : vector<16x1x105xf32> to vector<16x105xf32>
    %swap3A_179 = arith.constant 0 : index
    %swap3A_180 = arith.constant 2563 : index
    %swap3A_181 = vector.load %arg2[%swap3A_179, %swap3A_180] : memref<16x8128xf32, #tpu.memory_space<vmem>>, vector<16x105xf32>
    tpu.vector_store %arg2[%swap3A_179, %swap3A_180], %get3A_178 {strides = array<i32>} : memref<16x8128xf32, #tpu.memory_space<vmem>>, vector<16x105xf32>,
    %get3A_182 = arith.constant 0 : index
    %get3A_183 = arith.constant 23 : index
    %get3A_184 = arith.constant 24 : index
    %get3A_185 = vector.load %arg1[%get3A_182, %get3A_183, %get3A_184] : memref<16x128x128xf32, #tpu.memory_space<vmem>>, vector<16x1x104xf32>
    %get3A_186 = vector.shape_cast %get3A_185 : vector<16x1x104xf32> to vector<16x104xf32>
    %swap3A_187 = arith.constant 0 : index
    %swap3A_188 = arith.constant 2668 : index
    %swap3A_189 = vector.load %arg2[%swap3A_187, %swap3A_188] : memref<16x8128xf32, #tpu.memory_space<vmem>>, vector<16x104xf32>
    tpu.vector_store %arg2[%swap3A_187, %swap3A_188], %get3A_186 {strides = array<i32>} : memref<16x8128xf32, #tpu.memory_space<vmem>>, vector<16x104xf32>,
    %get3A_190 = arith.constant 0 : index
    %get3A_191 = arith.constant 24 : index
    %get3A_192 = arith.constant 25 : index
    %get3A_193 = vector.load %arg1[%get3A_190, %get3A_191, %get3A_192] : memref<16x128x128xf32, #tpu.memory_space<vmem>>, vector<16x1x103xf32>
    %get3A_194 = vector.shape_cast %get3A_193 : vector<16x1x103xf32> to vector<16x103xf32>
    %swap3A_195 = arith.constant 0 : index
    %swap3A_196 = arith.constant 2772 : index
    %swap3A_197 = vector.load %arg2[%swap3A_195, %swap3A_196] : memref<16x8128xf32, #tpu.memory_space<vmem>>, vector<16x103xf32>
    tpu.vector_store %arg2[%swap3A_195, %swap3A_196], %get3A_194 {strides = array<i32>} : memref<16x8128xf32, #tpu.memory_space<vmem>>, vector<16x103xf32>,
    %get3A_198 = arith.constant 0 : index
    %get3A_199 = arith.constant 25 : index
    %get3A_200 = arith.constant 26 : index
    %get3A_201 = vector.load %arg1[%get3A_198, %get3A_199, %get3A_200] : memref<16x128x128xf32, #tpu.memory_space<vmem>>, vector<16x1x102xf32>
    %get3A_202 = vector.shape_cast %get3A_201 : vector<16x1x102xf32> to vector<16x102xf32>
    %swap3A_203 = arith.constant 0 : index
    %swap3A_204 = arith.constant 2875 : index
    %swap3A_205 = vector.load %arg2[%swap3A_203, %swap3A_204] : memref<16x8128xf32, #tpu.memory_space<vmem>>, vector<16x102xf32>
    tpu.vector_store %arg2[%swap3A_203, %swap3A_204], %get3A_202 {strides = array<i32>} : memref<16x8128xf32, #tpu.memory_space<vmem>>, vector<16x102xf32>,
    %get3A_206 = arith.constant 0 : index
    %get3A_207 = arith.constant 26 : index
    %get3A_208 = arith.constant 27 : index
    %get3A_209 = vector.load %arg1[%get3A_206, %get3A_207, %get3A_208] : memref<16x128x128xf32, #tpu.memory_space<vmem>>, vector<16x1x101xf32>
    %get3A_210 = vector.shape_cast %get3A_209 : vector<16x1x101xf32> to vector<16x101xf32>
    %swap3A_211 = arith.constant 0 : index
    %swap3A_212 = arith.constant 2977 : index
    %swap3A_213 = vector.load %arg2[%swap3A_211, %swap3A_212] : memref<16x8128xf32, #tpu.memory_space<vmem>>, vector<16x101xf32>
    tpu.vector_store %arg2[%swap3A_211, %swap3A_212], %get3A_210 {strides = array<i32>} : memref<16x8128xf32, #tpu.memory_space<vmem>>, vector<16x101xf32>,
    %get3A_214 = arith.constant 0 : index
    %get3A_215 = arith.constant 27 : index
    %get3A_216 = arith.constant 28 : index
    %get3A_217 = vector.load %arg1[%get3A_214, %get3A_215, %get3A_216] : memref<16x128x128xf32, #tpu.memory_space<vmem>>, vector<16x1x100xf32>
    %get3A_218 = vector.shape_cast %get3A_217 : vector<16x1x100xf32> to vector<16x100xf32>
    %swap3A_219 = arith.constant 0 : index
    %swap3A_220 = arith.constant 3078 : index
    %swap3A_221 = vector.load %arg2[%swap3A_219, %swap3A_220] : memref<16x8128xf32, #tpu.memory_space<vmem>>, vector<16x100xf32>
    tpu.vector_store %arg2[%swap3A_219, %swap3A_220], %get3A_218 {strides = array<i32>} : memref<16x8128xf32, #tpu.memory_space<vmem>>, vector<16x100xf32>,
    %get3A_222 = arith.constant 0 : index
    %get3A_223 = arith.constant 28 : index
    %get3A_224 = arith.constant 29 : index
    %get3A_225 = vector.load %arg1[%get3A_222, %get3A_223, %get3A_224] : memref<16x128x128xf32, #tpu.memory_space<vmem>>, vector<16x1x99xf32>
    %get3A_226 = vector.shape_cast %get3A_225 : vector<16x1x99xf32> to vector<16x99xf32>
    %swap3A_227 = arith.constant 0 : index
    %swap3A_228 = arith.constant 3178 : index
    %swap3A_229 = vector.load %arg2[%swap3A_227, %swap3A_228] : memref<16x8128xf32, #tpu.memory_space<vmem>>, vector<16x99xf32>
    tpu.vector_store %arg2[%swap3A_227, %swap3A_228], %get3A_226 {strides = array<i32>} : memref<16x8128xf32, #tpu.memory_space<vmem>>, vector<16x99xf32>,
    %get3A_230 = arith.constant 0 : index
    %get3A_231 = arith.constant 29 : index
    %get3A_232 = arith.constant 30 : index
    %get3A_233 = vector.load %arg1[%get3A_230, %get3A_231, %get3A_232] : memref<16x128x128xf32, #tpu.memory_space<vmem>>, vector<16x1x98xf32>
    %get3A_234 = vector.shape_cast %get3A_233 : vector<16x1x98xf32> to vector<16x98xf32>
    %swap3A_235 = arith.constant 0 : index
    %swap3A_236 = arith.constant 3277 : index
    %swap3A_237 = vector.load %arg2[%swap3A_235, %swap3A_236] : memref<16x8128xf32, #tpu.memory_space<vmem>>, vector<16x98xf32>
    tpu.vector_store %arg2[%swap3A_235, %swap3A_236], %get3A_234 {strides = array<i32>} : memref<16x8128xf32, #tpu.memory_space<vmem>>, vector<16x98xf32>,
    %get3A_238 = arith.constant 0 : index
    %get3A_239 = arith.constant 30 : index
    %get3A_240 = arith.constant 31 : index
    %get3A_241 = vector.load %arg1[%get3A_238, %get3A_239, %get3A_240] : memref<16x128x128xf32, #tpu.memory_space<vmem>>, vector<16x1x97xf32>
    %get3A_242 = vector.shape_cast %get3A_241 : vector<16x1x97xf32> to vector<16x97xf32>
    %swap3A_243 = arith.constant 0 : index
    %swap3A_244 = arith.constant 3375 : index
    %swap3A_245 = vector.load %arg2[%swap3A_243, %swap3A_244] : memref<16x8128xf32, #tpu.memory_space<vmem>>, vector<16x97xf32>
    tpu.vector_store %arg2[%swap3A_243, %swap3A_244], %get3A_242 {strides = array<i32>} : memref<16x8128xf32, #tpu.memory_space<vmem>>, vector<16x97xf32>,
    %get3A_246 = arith.constant 0 : index
    %get3A_247 = arith.constant 31 : index
    %get3A_248 = arith.constant 32 : index
    %get3A_249 = vector.load %arg1[%get3A_246, %get3A_247, %get3A_248] : memref<16x128x128xf32, #tpu.memory_space<vmem>>, vector<16x1x96xf32>
    %get3A_250 = vector.shape_cast %get3A_249 : vector<16x1x96xf32> to vector<16x96xf32>
    %swap3A_251 = arith.constant 0 : index
    %swap3A_252 = arith.constant 3472 : index
    %swap3A_253 = vector.load %arg2[%swap3A_251, %swap3A_252] : memref<16x8128xf32, #tpu.memory_space<vmem>>, vector<16x96xf32>
    tpu.vector_store %arg2[%swap3A_251, %swap3A_252], %get3A_250 {strides = array<i32>} : memref<16x8128xf32, #tpu.memory_space<vmem>>, vector<16x96xf32>,
    %get3A_254 = arith.constant 0 : index
    %get3A_255 = arith.constant 32 : index
    %get3A_256 = arith.constant 33 : index
    %get3A_257 = vector.load %arg1[%get3A_254, %get3A_255, %get3A_256] : memref<16x128x128xf32, #tpu.memory_space<vmem>>, vector<16x1x95xf32>
    %get3A_258 = vector.shape_cast %get3A_257 : vector<16x1x95xf32> to vector<16x95xf32>
    %swap3A_259 = arith.constant 0 : index
    %swap3A_260 = arith.constant 3568 : index
    %swap3A_261 = vector.load %arg2[%swap3A_259, %swap3A_260] : memref<16x8128xf32, #tpu.memory_space<vmem>>, vector<16x95xf32>
    tpu.vector_store %arg2[%swap3A_259, %swap3A_260], %get3A_258 {strides = array<i32>} : memref<16x8128xf32, #tpu.memory_space<vmem>>, vector<16x95xf32>,
    %get3A_262 = arith.constant 0 : index
    %get3A_263 = arith.constant 33 : index
    %get3A_264 = arith.constant 34 : index
    %get3A_265 = vector.load %arg1[%get3A_262, %get3A_263, %get3A_264] : memref<16x128x128xf32, #tpu.memory_space<vmem>>, vector<16x1x94xf32>
    %get3A_266 = vector.shape_cast %get3A_265 : vector<16x1x94xf32> to vector<16x94xf32>
    %swap3A_267 = arith.constant 0 : index
    %swap3A_268 = arith.constant 3663 : index
    %swap3A_269 = vector.load %arg2[%swap3A_267, %swap3A_268] : memref<16x8128xf32, #tpu.memory_space<vmem>>, vector<16x94xf32>
    tpu.vector_store %arg2[%swap3A_267, %swap3A_268], %get3A_266 {strides = array<i32>} : memref<16x8128xf32, #tpu.memory_space<vmem>>, vector<16x94xf32>,
    %get3A_270 = arith.constant 0 : index
    %get3A_271 = arith.constant 34 : index
    %get3A_272 = arith.constant 35 : index
    %get3A_273 = vector.load %arg1[%get3A_270, %get3A_271, %get3A_272] : memref<16x128x128xf32, #tpu.memory_space<vmem>>, vector<16x1x93xf32>
    %get3A_274 = vector.shape_cast %get3A_273 : vector<16x1x93xf32> to vector<16x93xf32>
    %swap3A_275 = arith.constant 0 : index
    %swap3A_276 = arith.constant 3757 : index
    %swap3A_277 = vector.load %arg2[%swap3A_275, %swap3A_276] : memref<16x8128xf32, #tpu.memory_space<vmem>>, vector<16x93xf32>
    tpu.vector_store %arg2[%swap3A_275, %swap3A_276], %get3A_274 {strides = array<i32>} : memref<16x8128xf32, #tpu.memory_space<vmem>>, vector<16x93xf32>,
    %get3A_278 = arith.constant 0 : index
    %get3A_279 = arith.constant 35 : index
    %get3A_280 = arith.constant 36 : index
    %get3A_281 = vector.load %arg1[%get3A_278, %get3A_279, %get3A_280] : memref<16x128x128xf32, #tpu.memory_space<vmem>>, vector<16x1x92xf32>
    %get3A_282 = vector.shape_cast %get3A_281 : vector<16x1x92xf32> to vector<16x92xf32>
    %swap3A_283 = arith.constant 0 : index
    %swap3A_284 = arith.constant 3850 : index
    %swap3A_285 = vector.load %arg2[%swap3A_283, %swap3A_284] : memref<16x8128xf32, #tpu.memory_space<vmem>>, vector<16x92xf32>
    tpu.vector_store %arg2[%swap3A_283, %swap3A_284], %get3A_282 {strides = array<i32>} : memref<16x8128xf32, #tpu.memory_space<vmem>>, vector<16x92xf32>,
    %get3A_286 = arith.constant 0 : index
    %get3A_287 = arith.constant 36 : index
    %get3A_288 = arith.constant 37 : index
    %get3A_289 = vector.load %arg1[%get3A_286, %get3A_287, %get3A_288] : memref<16x128x128xf32, #tpu.memory_space<vmem>>, vector<16x1x91xf32>
    %get3A_290 = vector.shape_cast %get3A_289 : vector<16x1x91xf32> to vector<16x91xf32>
    %swap3A_291 = arith.constant 0 : index
    %swap3A_292 = arith.constant 3942 : index
    %swap3A_293 = vector.load %arg2[%swap3A_291, %swap3A_292] : memref<16x8128xf32, #tpu.memory_space<vmem>>, vector<16x91xf32>
    tpu.vector_store %arg2[%swap3A_291, %swap3A_292], %get3A_290 {strides = array<i32>} : memref<16x8128xf32, #tpu.memory_space<vmem>>, vector<16x91xf32>,
    %get3A_294 = arith.constant 0 : index
    %get3A_295 = arith.constant 37 : index
    %get3A_296 = arith.constant 38 : index
    %get3A_297 = vector.load %arg1[%get3A_294, %get3A_295, %get3A_296] : memref<16x128x128xf32, #tpu.memory_space<vmem>>, vector<16x1x90xf32>
    %get3A_298 = vector.shape_cast %get3A_297 : vector<16x1x90xf32> to vector<16x90xf32>
    %swap3A_299 = arith.constant 0 : index
    %swap3A_300 = arith.constant 4033 : index
    %swap3A_301 = vector.load %arg2[%swap3A_299, %swap3A_300] : memref<16x8128xf32, #tpu.memory_space<vmem>>, vector<16x90xf32>
    tpu.vector_store %arg2[%swap3A_299, %swap3A_300], %get3A_298 {strides = array<i32>} : memref<16x8128xf32, #tpu.memory_space<vmem>>, vector<16x90xf32>,
    %get3A_302 = arith.constant 0 : index
    %get3A_303 = arith.constant 38 : index
    %get3A_304 = arith.constant 39 : index
    %get3A_305 = vector.load %arg1[%get3A_302, %get3A_303, %get3A_304] : memref<16x128x128xf32, #tpu.memory_space<vmem>>, vector<16x1x89xf32>
    %get3A_306 = vector.shape_cast %get3A_305 : vector<16x1x89xf32> to vector<16x89xf32>
    %swap3A_307 = arith.constant 0 : index
    %swap3A_308 = arith.constant 4123 : index
    %swap3A_309 = vector.load %arg2[%swap3A_307, %swap3A_308] : memref<16x8128xf32, #tpu.memory_space<vmem>>, vector<16x89xf32>
    tpu.vector_store %arg2[%swap3A_307, %swap3A_308], %get3A_306 {strides = array<i32>} : memref<16x8128xf32, #tpu.memory_space<vmem>>, vector<16x89xf32>,
    %get3A_310 = arith.constant 0 : index
    %get3A_311 = arith.constant 39 : index
    %get3A_312 = arith.constant 40 : index
    %get3A_313 = vector.load %arg1[%get3A_310, %get3A_311, %get3A_312] : memref<16x128x128xf32, #tpu.memory_space<vmem>>, vector<16x1x88xf32>
    %get3A_314 = vector.shape_cast %get3A_313 : vector<16x1x88xf32> to vector<16x88xf32>
    %swap3A_315 = arith.constant 0 : index
    %swap3A_316 = arith.constant 4212 : index
    %swap3A_317 = vector.load %arg2[%swap3A_315, %swap3A_316] : memref<16x8128xf32, #tpu.memory_space<vmem>>, vector<16x88xf32>
    tpu.vector_store %arg2[%swap3A_315, %swap3A_316], %get3A_314 {strides = array<i32>} : memref<16x8128xf32, #tpu.memory_space<vmem>>, vector<16x88xf32>,
    %get3A_318 = arith.constant 0 : index
    %get3A_319 = arith.constant 40 : index
    %get3A_320 = arith.constant 41 : index
    %get3A_321 = vector.load %arg1[%get3A_318, %get3A_319, %get3A_320] : memref<16x128x128xf32, #tpu.memory_space<vmem>>, vector<16x1x87xf32>
    %get3A_322 = vector.shape_cast %get3A_321 : vector<16x1x87xf32> to vector<16x87xf32>
    %swap3A_323 = arith.constant 0 : index
    %swap3A_324 = arith.constant 4300 : index
    %swap3A_325 = vector.load %arg2[%swap3A_323, %swap3A_324] : memref<16x8128xf32, #tpu.memory_space<vmem>>, vector<16x87xf32>
    tpu.vector_store %arg2[%swap3A_323, %swap3A_324], %get3A_322 {strides = array<i32>} : memref<16x8128xf32, #tpu.memory_space<vmem>>, vector<16x87xf32>,
    %get3A_326 = arith.constant 0 : index
    %get3A_327 = arith.constant 41 : index
    %get3A_328 = arith.constant 42 : index
    %get3A_329 = vector.load %arg1[%get3A_326, %get3A_327, %get3A_328] : memref<16x128x128xf32, #tpu.memory_space<vmem>>, vector<16x1x86xf32>
    %get3A_330 = vector.shape_cast %get3A_329 : vector<16x1x86xf32> to vector<16x86xf32>
    %swap3A_331 = arith.constant 0 : index
    %swap3A_332 = arith.constant 4387 : index
    %swap3A_333 = vector.load %arg2[%swap3A_331, %swap3A_332] : memref<16x8128xf32, #tpu.memory_space<vmem>>, vector<16x86xf32>
    tpu.vector_store %arg2[%swap3A_331, %swap3A_332], %get3A_330 {strides = array<i32>} : memref<16x8128xf32, #tpu.memory_space<vmem>>, vector<16x86xf32>,
    %get3A_334 = arith.constant 0 : index
    %get3A_335 = arith.constant 42 : index
    %get3A_336 = arith.constant 43 : index
    %get3A_337 = vector.load %arg1[%get3A_334, %get3A_335, %get3A_336] : memref<16x128x128xf32, #tpu.memory_space<vmem>>, vector<16x1x85xf32>
    %get3A_338 = vector.shape_cast %get3A_337 : vector<16x1x85xf32> to vector<16x85xf32>
    %swap3A_339 = arith.constant 0 : index
    %swap3A_340 = arith.constant 4473 : index
    %swap3A_341 = vector.load %arg2[%swap3A_339, %swap3A_340] : memref<16x8128xf32, #tpu.memory_space<vmem>>, vector<16x85xf32>
    tpu.vector_store %arg2[%swap3A_339, %swap3A_340], %get3A_338 {strides = array<i32>} : memref<16x8128xf32, #tpu.memory_space<vmem>>, vector<16x85xf32>,
    %get3A_342 = arith.constant 0 : index
    %get3A_343 = arith.constant 43 : index
    %get3A_344 = arith.constant 44 : index
    %get3A_345 = vector.load %arg1[%get3A_342, %get3A_343, %get3A_344] : memref<16x128x128xf32, #tpu.memory_space<vmem>>, vector<16x1x84xf32>
    %get3A_346 = vector.shape_cast %get3A_345 : vector<16x1x84xf32> to vector<16x84xf32>
    %swap3A_347 = arith.constant 0 : index
    %swap3A_348 = arith.constant 4558 : index
    %swap3A_349 = vector.load %arg2[%swap3A_347, %swap3A_348] : memref<16x8128xf32, #tpu.memory_space<vmem>>, vector<16x84xf32>
    tpu.vector_store %arg2[%swap3A_347, %swap3A_348], %get3A_346 {strides = array<i32>} : memref<16x8128xf32, #tpu.memory_space<vmem>>, vector<16x84xf32>,
    %get3A_350 = arith.constant 0 : index
    %get3A_351 = arith.constant 44 : index
    %get3A_352 = arith.constant 45 : index
    %get3A_353 = vector.load %arg1[%get3A_350, %get3A_351, %get3A_352] : memref<16x128x128xf32, #tpu.memory_space<vmem>>, vector<16x1x83xf32>
    %get3A_354 = vector.shape_cast %get3A_353 : vector<16x1x83xf32> to vector<16x83xf32>
    %swap3A_355 = arith.constant 0 : index
    %swap3A_356 = arith.constant 4642 : index
    %swap3A_357 = vector.load %arg2[%swap3A_355, %swap3A_356] : memref<16x8128xf32, #tpu.memory_space<vmem>>, vector<16x83xf32>
    tpu.vector_store %arg2[%swap3A_355, %swap3A_356], %get3A_354 {strides = array<i32>} : memref<16x8128xf32, #tpu.memory_space<vmem>>, vector<16x83xf32>,
    %get3A_358 = arith.constant 0 : index
    %get3A_359 = arith.constant 45 : index
    %get3A_360 = arith.constant 46 : index
    %get3A_361 = vector.load %arg1[%get3A_358, %get3A_359, %get3A_360] : memref<16x128x128xf32, #tpu.memory_space<vmem>>, vector<16x1x82xf32>
    %get3A_362 = vector.shape_cast %get3A_361 : vector<16x1x82xf32> to vector<16x82xf32>
    %swap3A_363 = arith.constant 0 : index
    %swap3A_364 = arith.constant 4725 : index
    %swap3A_365 = vector.load %arg2[%swap3A_363, %swap3A_364] : memref<16x8128xf32, #tpu.memory_space<vmem>>, vector<16x82xf32>
    tpu.vector_store %arg2[%swap3A_363, %swap3A_364], %get3A_362 {strides = array<i32>} : memref<16x8128xf32, #tpu.memory_space<vmem>>, vector<16x82xf32>,
    %get3A_366 = arith.constant 0 : index
    %get3A_367 = arith.constant 46 : index
    %get3A_368 = arith.constant 47 : index
    %get3A_369 = vector.load %arg1[%get3A_366, %get3A_367, %get3A_368] : memref<16x128x128xf32, #tpu.memory_space<vmem>>, vector<16x1x81xf32>
    %get3A_370 = vector.shape_cast %get3A_369 : vector<16x1x81xf32> to vector<16x81xf32>
    %swap3A_371 = arith.constant 0 : index
    %swap3A_372 = arith.constant 4807 : index
    %swap3A_373 = vector.load %arg2[%swap3A_371, %swap3A_372] : memref<16x8128xf32, #tpu.memory_space<vmem>>, vector<16x81xf32>
    tpu.vector_store %arg2[%swap3A_371, %swap3A_372], %get3A_370 {strides = array<i32>} : memref<16x8128xf32, #tpu.memory_space<vmem>>, vector<16x81xf32>,
    %get3A_374 = arith.constant 0 : index
    %get3A_375 = arith.constant 47 : index
    %get3A_376 = arith.constant 48 : index
    %get3A_377 = vector.load %arg1[%get3A_374, %get3A_375, %get3A_376] : memref<16x128x128xf32, #tpu.memory_space<vmem>>, vector<16x1x80xf32>
    %get3A_378 = vector.shape_cast %get3A_377 : vector<16x1x80xf32> to vector<16x80xf32>
    %swap3A_379 = arith.constant 0 : index
    %swap3A_380 = arith.constant 4888 : index
    %swap3A_381 = vector.load %arg2[%swap3A_379, %swap3A_380] : memref<16x8128xf32, #tpu.memory_space<vmem>>, vector<16x80xf32>
    tpu.vector_store %arg2[%swap3A_379, %swap3A_380], %get3A_378 {strides = array<i32>} : memref<16x8128xf32, #tpu.memory_space<vmem>>, vector<16x80xf32>,
    %get3A_382 = arith.constant 0 : index
    %get3A_383 = arith.constant 48 : index
    %get3A_384 = arith.constant 49 : index
    %get3A_385 = vector.load %arg1[%get3A_382, %get3A_383, %get3A_384] : memref<16x128x128xf32, #tpu.memory_space<vmem>>, vector<16x1x79xf32>
    %get3A_386 = vector.shape_cast %get3A_385 : vector<16x1x79xf32> to vector<16x79xf32>
    %swap3A_387 = arith.constant 0 : index
    %swap3A_388 = arith.constant 4968 : index
    %swap3A_389 = vector.load %arg2[%swap3A_387, %swap3A_388] : memref<16x8128xf32, #tpu.memory_space<vmem>>, vector<16x79xf32>
    tpu.vector_store %arg2[%swap3A_387, %swap3A_388], %get3A_386 {strides = array<i32>} : memref<16x8128xf32, #tpu.memory_space<vmem>>, vector<16x79xf32>,
    %get3A_390 = arith.constant 0 : index
    %get3A_391 = arith.constant 49 : index
    %get3A_392 = arith.constant 50 : index
    %get3A_393 = vector.load %arg1[%get3A_390, %get3A_391, %get3A_392] : memref<16x128x128xf32, #tpu.memory_space<vmem>>, vector<16x1x78xf32>
    %get3A_394 = vector.shape_cast %get3A_393 : vector<16x1x78xf32> to vector<16x78xf32>
    %swap3A_395 = arith.constant 0 : index
    %swap3A_396 = arith.constant 5047 : index
    %swap3A_397 = vector.load %arg2[%swap3A_395, %swap3A_396] : memref<16x8128xf32, #tpu.memory_space<vmem>>, vector<16x78xf32>
    tpu.vector_store %arg2[%swap3A_395, %swap3A_396], %get3A_394 {strides = array<i32>} : memref<16x8128xf32, #tpu.memory_space<vmem>>, vector<16x78xf32>,
    %get3A_398 = arith.constant 0 : index
    %get3A_399 = arith.constant 50 : index
    %get3A_400 = arith.constant 51 : index
    %get3A_401 = vector.load %arg1[%get3A_398, %get3A_399, %get3A_400] : memref<16x128x128xf32, #tpu.memory_space<vmem>>, vector<16x1x77xf32>
    %get3A_402 = vector.shape_cast %get3A_401 : vector<16x1x77xf32> to vector<16x77xf32>
    %swap3A_403 = arith.constant 0 : index
    %swap3A_404 = arith.constant 5125 : index
    %swap3A_405 = vector.load %arg2[%swap3A_403, %swap3A_404] : memref<16x8128xf32, #tpu.memory_space<vmem>>, vector<16x77xf32>
    tpu.vector_store %arg2[%swap3A_403, %swap3A_404], %get3A_402 {strides = array<i32>} : memref<16x8128xf32, #tpu.memory_space<vmem>>, vector<16x77xf32>,
    %get3A_406 = arith.constant 0 : index
    %get3A_407 = arith.constant 51 : index
    %get3A_408 = arith.constant 52 : index
    %get3A_409 = vector.load %arg1[%get3A_406, %get3A_407, %get3A_408] : memref<16x128x128xf32, #tpu.memory_space<vmem>>, vector<16x1x76xf32>
    %get3A_410 = vector.shape_cast %get3A_409 : vector<16x1x76xf32> to vector<16x76xf32>
    %swap3A_411 = arith.constant 0 : index
    %swap3A_412 = arith.constant 5202 : index
    %swap3A_413 = vector.load %arg2[%swap3A_411, %swap3A_412] : memref<16x8128xf32, #tpu.memory_space<vmem>>, vector<16x76xf32>
    tpu.vector_store %arg2[%swap3A_411, %swap3A_412], %get3A_410 {strides = array<i32>} : memref<16x8128xf32, #tpu.memory_space<vmem>>, vector<16x76xf32>,
    %get3A_414 = arith.constant 0 : index
    %get3A_415 = arith.constant 52 : index
    %get3A_416 = arith.constant 53 : index
    %get3A_417 = vector.load %arg1[%get3A_414, %get3A_415, %get3A_416] : memref<16x128x128xf32, #tpu.memory_space<vmem>>, vector<16x1x75xf32>
    %get3A_418 = vector.shape_cast %get3A_417 : vector<16x1x75xf32> to vector<16x75xf32>
    %swap3A_419 = arith.constant 0 : index
    %swap3A_420 = arith.constant 5278 : index
    %swap3A_421 = vector.load %arg2[%swap3A_419, %swap3A_420] : memref<16x8128xf32, #tpu.memory_space<vmem>>, vector<16x75xf32>
    tpu.vector_store %arg2[%swap3A_419, %swap3A_420], %get3A_418 {strides = array<i32>} : memref<16x8128xf32, #tpu.memory_space<vmem>>, vector<16x75xf32>,
    %get3A_422 = arith.constant 0 : index
    %get3A_423 = arith.constant 53 : index
    %get3A_424 = arith.constant 54 : index
    %get3A_425 = vector.load %arg1[%get3A_422, %get3A_423, %get3A_424] : memref<16x128x128xf32, #tpu.memory_space<vmem>>, vector<16x1x74xf32>
    %get3A_426 = vector.shape_cast %get3A_425 : vector<16x1x74xf32> to vector<16x74xf32>
    %swap3A_427 = arith.constant 0 : index
    %swap3A_428 = arith.constant 5353 : index
    %swap3A_429 = vector.load %arg2[%swap3A_427, %swap3A_428] : memref<16x8128xf32, #tpu.memory_space<vmem>>, vector<16x74xf32>
    tpu.vector_store %arg2[%swap3A_427, %swap3A_428], %get3A_426 {strides = array<i32>} : memref<16x8128xf32, #tpu.memory_space<vmem>>, vector<16x74xf32>,
    %get3A_430 = arith.constant 0 : index
    %get3A_431 = arith.constant 54 : index
    %get3A_432 = arith.constant 55 : index
    %get3A_433 = vector.load %arg1[%get3A_430, %get3A_431, %get3A_432] : memref<16x128x128xf32, #tpu.memory_space<vmem>>, vector<16x1x73xf32>
    %get3A_434 = vector.shape_cast %get3A_433 : vector<16x1x73xf32> to vector<16x73xf32>
    %swap3A_435 = arith.constant 0 : index
    %swap3A_436 = arith.constant 5427 : index
    %swap3A_437 = vector.load %arg2[%swap3A_435, %swap3A_436] : memref<16x8128xf32, #tpu.memory_space<vmem>>, vector<16x73xf32>
    tpu.vector_store %arg2[%swap3A_435, %swap3A_436], %get3A_434 {strides = array<i32>} : memref<16x8128xf32, #tpu.memory_space<vmem>>, vector<16x73xf32>,
    %get3A_438 = arith.constant 0 : index
    %get3A_439 = arith.constant 55 : index
    %get3A_440 = arith.constant 56 : index
    %get3A_441 = vector.load %arg1[%get3A_438, %get3A_439, %get3A_440] : memref<16x128x128xf32, #tpu.memory_space<vmem>>, vector<16x1x72xf32>
    %get3A_442 = vector.shape_cast %get3A_441 : vector<16x1x72xf32> to vector<16x72xf32>
    %swap3A_443 = arith.constant 0 : index
    %swap3A_444 = arith.constant 5500 : index
    %swap3A_445 = vector.load %arg2[%swap3A_443, %swap3A_444] : memref<16x8128xf32, #tpu.memory_space<vmem>>, vector<16x72xf32>
    tpu.vector_store %arg2[%swap3A_443, %swap3A_444], %get3A_442 {strides = array<i32>} : memref<16x8128xf32, #tpu.memory_space<vmem>>, vector<16x72xf32>,
    %get3A_446 = arith.constant 0 : index
    %get3A_447 = arith.constant 56 : index
    %get3A_448 = arith.constant 57 : index
    %get3A_449 = vector.load %arg1[%get3A_446, %get3A_447, %get3A_448] : memref<16x128x128xf32, #tpu.memory_space<vmem>>, vector<16x1x71xf32>
    %get3A_450 = vector.shape_cast %get3A_449 : vector<16x1x71xf32> to vector<16x71xf32>
    %swap3A_451 = arith.constant 0 : index
    %swap3A_452 = arith.constant 5572 : index
    %swap3A_453 = vector.load %arg2[%swap3A_451, %swap3A_452] : memref<16x8128xf32, #tpu.memory_space<vmem>>, vector<16x71xf32>
    tpu.vector_store %arg2[%swap3A_451, %swap3A_452], %get3A_450 {strides = array<i32>} : memref<16x8128xf32, #tpu.memory_space<vmem>>, vector<16x71xf32>,
    %get3A_454 = arith.constant 0 : index
    %get3A_455 = arith.constant 57 : index
    %get3A_456 = arith.constant 58 : index
    %get3A_457 = vector.load %arg1[%get3A_454, %get3A_455, %get3A_456] : memref<16x128x128xf32, #tpu.memory_space<vmem>>, vector<16x1x70xf32>
    %get3A_458 = vector.shape_cast %get3A_457 : vector<16x1x70xf32> to vector<16x70xf32>
    %swap3A_459 = arith.constant 0 : index
    %swap3A_460 = arith.constant 5643 : index
    %swap3A_461 = vector.load %arg2[%swap3A_459, %swap3A_460] : memref<16x8128xf32, #tpu.memory_space<vmem>>, vector<16x70xf32>
    tpu.vector_store %arg2[%swap3A_459, %swap3A_460], %get3A_458 {strides = array<i32>} : memref<16x8128xf32, #tpu.memory_space<vmem>>, vector<16x70xf32>,
    %get3A_462 = arith.constant 0 : index
    %get3A_463 = arith.constant 58 : index
    %get3A_464 = arith.constant 59 : index
    %get3A_465 = vector.load %arg1[%get3A_462, %get3A_463, %get3A_464] : memref<16x128x128xf32, #tpu.memory_space<vmem>>, vector<16x1x69xf32>
    %get3A_466 = vector.shape_cast %get3A_465 : vector<16x1x69xf32> to vector<16x69xf32>
    %swap3A_467 = arith.constant 0 : index
    %swap3A_468 = arith.constant 5713 : index
    %swap3A_469 = vector.load %arg2[%swap3A_467, %swap3A_468] : memref<16x8128xf32, #tpu.memory_space<vmem>>, vector<16x69xf32>
    tpu.vector_store %arg2[%swap3A_467, %swap3A_468], %get3A_466 {strides = array<i32>} : memref<16x8128xf32, #tpu.memory_space<vmem>>, vector<16x69xf32>,
    %get3A_470 = arith.constant 0 : index
    %get3A_471 = arith.constant 59 : index
    %get3A_472 = arith.constant 60 : index
    %get3A_473 = vector.load %arg1[%get3A_470, %get3A_471, %get3A_472] : memref<16x128x128xf32, #tpu.memory_space<vmem>>, vector<16x1x68xf32>
    %get3A_474 = vector.shape_cast %get3A_473 : vector<16x1x68xf32> to vector<16x68xf32>
    %swap3A_475 = arith.constant 0 : index
    %swap3A_476 = arith.constant 5782 : index
    %swap3A_477 = vector.load %arg2[%swap3A_475, %swap3A_476] : memref<16x8128xf32, #tpu.memory_space<vmem>>, vector<16x68xf32>
    tpu.vector_store %arg2[%swap3A_475, %swap3A_476], %get3A_474 {strides = array<i32>} : memref<16x8128xf32, #tpu.memory_space<vmem>>, vector<16x68xf32>,
    %get3A_478 = arith.constant 0 : index
    %get3A_479 = arith.constant 60 : index
    %get3A_480 = arith.constant 61 : index
    %get3A_481 = vector.load %arg1[%get3A_478, %get3A_479, %get3A_480] : memref<16x128x128xf32, #tpu.memory_space<vmem>>, vector<16x1x67xf32>
    %get3A_482 = vector.shape_cast %get3A_481 : vector<16x1x67xf32> to vector<16x67xf32>
    %swap3A_483 = arith.constant 0 : index
    %swap3A_484 = arith.constant 5850 : index
    %swap3A_485 = vector.load %arg2[%swap3A_483, %swap3A_484] : memref<16x8128xf32, #tpu.memory_space<vmem>>, vector<16x67xf32>
    tpu.vector_store %arg2[%swap3A_483, %swap3A_484], %get3A_482 {strides = array<i32>} : memref<16x8128xf32, #tpu.memory_space<vmem>>, vector<16x67xf32>,
    %get3A_486 = arith.constant 0 : index
    %get3A_487 = arith.constant 61 : index
    %get3A_488 = arith.constant 62 : index
    %get3A_489 = vector.load %arg1[%get3A_486, %get3A_487, %get3A_488] : memref<16x128x128xf32, #tpu.memory_space<vmem>>, vector<16x1x66xf32>
    %get3A_490 = vector.shape_cast %get3A_489 : vector<16x1x66xf32> to vector<16x66xf32>
    %swap3A_491 = arith.constant 0 : index
    %swap3A_492 = arith.constant 5917 : index
    %swap3A_493 = vector.load %arg2[%swap3A_491, %swap3A_492] : memref<16x8128xf32, #tpu.memory_space<vmem>>, vector<16x66xf32>
    tpu.vector_store %arg2[%swap3A_491, %swap3A_492], %get3A_490 {strides = array<i32>} : memref<16x8128xf32, #tpu.memory_space<vmem>>, vector<16x66xf32>,
    %get3A_494 = arith.constant 0 : index
    %get3A_495 = arith.constant 62 : index
    %get3A_496 = arith.constant 63 : index
    %get3A_497 = vector.load %arg1[%get3A_494, %get3A_495, %get3A_496] : memref<16x128x128xf32, #tpu.memory_space<vmem>>, vector<16x1x65xf32>
    %get3A_498 = vector.shape_cast %get3A_497 : vector<16x1x65xf32> to vector<16x65xf32>
    %swap3A_499 = arith.constant 0 : index
    %swap3A_500 = arith.constant 5983 : index
    %swap3A_501 = vector.load %arg2[%swap3A_499, %swap3A_500] : memref<16x8128xf32, #tpu.memory_space<vmem>>, vector<16x65xf32>
    tpu.vector_store %arg2[%swap3A_499, %swap3A_500], %get3A_498 {strides = array<i32>} : memref<16x8128xf32, #tpu.memory_space<vmem>>, vector<16x65xf32>,
    %get3A_502 = arith.constant 0 : index
    %get3A_503 = arith.constant 63 : index
    %get3A_504 = arith.constant 64 : index
    %get3A_505 = vector.load %arg1[%get3A_502, %get3A_503, %get3A_504] : memref<16x128x128xf32, #tpu.memory_space<vmem>>, vector<16x1x64xf32>
    %get3A_506 = vector.shape_cast %get3A_505 : vector<16x1x64xf32> to vector<16x64xf32>
    %swap3A_507 = arith.constant 0 : index
    %swap3A_508 = arith.constant 6048 : index
    %swap3A_509 = vector.load %arg2[%swap3A_507, %swap3A_508] : memref<16x8128xf32, #tpu.memory_space<vmem>>, vector<16x64xf32>
    tpu.vector_store %arg2[%swap3A_507, %swap3A_508], %get3A_506 {strides = array<i32>} : memref<16x8128xf32, #tpu.memory_space<vmem>>, vector<16x64xf32>,
    %get3A_510 = arith.constant 0 : index
    %get3A_511 = arith.constant 64 : index
    %get3A_512 = arith.constant 65 : index
    %get3A_513 = vector.load %arg1[%get3A_510, %get3A_511, %get3A_512] : memref<16x128x128xf32, #tpu.memory_space<vmem>>, vector<16x1x63xf32>
    %get3A_514 = vector.shape_cast %get3A_513 : vector<16x1x63xf32> to vector<16x63xf32>
    %swap3A_515 = arith.constant 0 : index
    %swap3A_516 = arith.constant 6112 : index
    %swap3A_517 = vector.load %arg2[%swap3A_515, %swap3A_516] : memref<16x8128xf32, #tpu.memory_space<vmem>>, vector<16x63xf32>
    tpu.vector_store %arg2[%swap3A_515, %swap3A_516], %get3A_514 {strides = array<i32>} : memref<16x8128xf32, #tpu.memory_space<vmem>>, vector<16x63xf32>,
    %get3A_518 = arith.constant 0 : index
    %get3A_519 = arith.constant 65 : index
    %get3A_520 = arith.constant 66 : index
    %get3A_521 = vector.load %arg1[%get3A_518, %get3A_519, %get3A_520] : memref<16x128x128xf32, #tpu.memory_space<vmem>>, vector<16x1x62xf32>
    %get3A_522 = vector.shape_cast %get3A_521 : vector<16x1x62xf32> to vector<16x62xf32>
    %swap3A_523 = arith.constant 0 : index
    %swap3A_524 = arith.constant 6175 : index
    %swap3A_525 = vector.load %arg2[%swap3A_523, %swap3A_524] : memref<16x8128xf32, #tpu.memory_space<vmem>>, vector<16x62xf32>
    tpu.vector_store %arg2[%swap3A_523, %swap3A_524], %get3A_522 {strides = array<i32>} : memref<16x8128xf32, #tpu.memory_space<vmem>>, vector<16x62xf32>,
    %get3A_526 = arith.constant 0 : index
    %get3A_527 = arith.constant 66 : index
    %get3A_528 = arith.constant 67 : index
    %get3A_529 = vector.load %arg1[%get3A_526, %get3A_527, %get3A_528] : memref<16x128x128xf32, #tpu.memory_space<vmem>>, vector<16x1x61xf32>
    %get3A_530 = vector.shape_cast %get3A_529 : vector<16x1x61xf32> to vector<16x61xf32>
    %swap3A_531 = arith.constant 0 : index
    %swap3A_532 = arith.constant 6237 : index
    %swap3A_533 = vector.load %arg2[%swap3A_531, %swap3A_532] : memref<16x8128xf32, #tpu.memory_space<vmem>>, vector<16x61xf32>
    tpu.vector_store %arg2[%swap3A_531, %swap3A_532], %get3A_530 {strides = array<i32>} : memref<16x8128xf32, #tpu.memory_space<vmem>>, vector<16x61xf32>,
    %get3A_534 = arith.constant 0 : index
    %get3A_535 = arith.constant 67 : index
    %get3A_536 = arith.constant 68 : index
    %get3A_537 = vector.load %arg1[%get3A_534, %get3A_535, %get3A_536] : memref<16x128x128xf32, #tpu.memory_space<vmem>>, vector<16x1x60xf32>
    %get3A_538 = vector.shape_cast %get3A_537 : vector<16x1x60xf32> to vector<16x60xf32>
    %swap3A_539 = arith.constant 0 : index
    %swap3A_540 = arith.constant 6298 : index
    %swap3A_541 = vector.load %arg2[%swap3A_539, %swap3A_540] : memref<16x8128xf32, #tpu.memory_space<vmem>>, vector<16x60xf32>
    tpu.vector_store %arg2[%swap3A_539, %swap3A_540], %get3A_538 {strides = array<i32>} : memref<16x8128xf32, #tpu.memory_space<vmem>>, vector<16x60xf32>,
    %get3A_542 = arith.constant 0 : index
    %get3A_543 = arith.constant 68 : index
    %get3A_544 = arith.constant 69 : index
    %get3A_545 = vector.load %arg1[%get3A_542, %get3A_543, %get3A_544] : memref<16x128x128xf32, #tpu.memory_space<vmem>>, vector<16x1x59xf32>
    %get3A_546 = vector.shape_cast %get3A_545 : vector<16x1x59xf32> to vector<16x59xf32>
    %swap3A_547 = arith.constant 0 : index
    %swap3A_548 = arith.constant 6358 : index
    %swap3A_549 = vector.load %arg2[%swap3A_547, %swap3A_548] : memref<16x8128xf32, #tpu.memory_space<vmem>>, vector<16x59xf32>
    tpu.vector_store %arg2[%swap3A_547, %swap3A_548], %get3A_546 {strides = array<i32>} : memref<16x8128xf32, #tpu.memory_space<vmem>>, vector<16x59xf32>,
    %get3A_550 = arith.constant 0 : index
    %get3A_551 = arith.constant 69 : index
    %get3A_552 = arith.constant 70 : index
    %get3A_553 = vector.load %arg1[%get3A_550, %get3A_551, %get3A_552] : memref<16x128x128xf32, #tpu.memory_space<vmem>>, vector<16x1x58xf32>
    %get3A_554 = vector.shape_cast %get3A_553 : vector<16x1x58xf32> to vector<16x58xf32>
    %swap3A_555 = arith.constant 0 : index
    %swap3A_556 = arith.constant 6417 : index
    %swap3A_557 = vector.load %arg2[%swap3A_555, %swap3A_556] : memref<16x8128xf32, #tpu.memory_space<vmem>>, vector<16x58xf32>
    tpu.vector_store %arg2[%swap3A_555, %swap3A_556], %get3A_554 {strides = array<i32>} : memref<16x8128xf32, #tpu.memory_space<vmem>>, vector<16x58xf32>,
    %get3A_558 = arith.constant 0 : index
    %get3A_559 = arith.constant 70 : index
    %get3A_560 = arith.constant 71 : index
    %get3A_561 = vector.load %arg1[%get3A_558, %get3A_559, %get3A_560] : memref<16x128x128xf32, #tpu.memory_space<vmem>>, vector<16x1x57xf32>
    %get3A_562 = vector.shape_cast %get3A_561 : vector<16x1x57xf32> to vector<16x57xf32>
    %swap3A_563 = arith.constant 0 : index
    %swap3A_564 = arith.constant 6475 : index
    %swap3A_565 = vector.load %arg2[%swap3A_563, %swap3A_564] : memref<16x8128xf32, #tpu.memory_space<vmem>>, vector<16x57xf32>
    tpu.vector_store %arg2[%swap3A_563, %swap3A_564], %get3A_562 {strides = array<i32>} : memref<16x8128xf32, #tpu.memory_space<vmem>>, vector<16x57xf32>,
    %get3A_566 = arith.constant 0 : index
    %get3A_567 = arith.constant 71 : index
    %get3A_568 = arith.constant 72 : index
    %get3A_569 = vector.load %arg1[%get3A_566, %get3A_567, %get3A_568] : memref<16x128x128xf32, #tpu.memory_space<vmem>>, vector<16x1x56xf32>
    %get3A_570 = vector.shape_cast %get3A_569 : vector<16x1x56xf32> to vector<16x56xf32>
    %swap3A_571 = arith.constant 0 : index
    %swap3A_572 = arith.constant 6532 : index
    %swap3A_573 = vector.load %arg2[%swap3A_571, %swap3A_572] : memref<16x8128xf32, #tpu.memory_space<vmem>>, vector<16x56xf32>
    tpu.vector_store %arg2[%swap3A_571, %swap3A_572], %get3A_570 {strides = array<i32>} : memref<16x8128xf32, #tpu.memory_space<vmem>>, vector<16x56xf32>,
    %get3A_574 = arith.constant 0 : index
    %get3A_575 = arith.constant 72 : index
    %get3A_576 = arith.constant 73 : index
    %get3A_577 = vector.load %arg1[%get3A_574, %get3A_575, %get3A_576] : memref<16x128x128xf32, #tpu.memory_space<vmem>>, vector<16x1x55xf32>
    %get3A_578 = vector.shape_cast %get3A_577 : vector<16x1x55xf32> to vector<16x55xf32>
    %swap3A_579 = arith.constant 0 : index
    %swap3A_580 = arith.constant 6588 : index
    %swap3A_581 = vector.load %arg2[%swap3A_579, %swap3A_580] : memref<16x8128xf32, #tpu.memory_space<vmem>>, vector<16x55xf32>
    tpu.vector_store %arg2[%swap3A_579, %swap3A_580], %get3A_578 {strides = array<i32>} : memref<16x8128xf32, #tpu.memory_space<vmem>>, vector<16x55xf32>,
    %get3A_582 = arith.constant 0 : index
    %get3A_583 = arith.constant 73 : index
    %get3A_584 = arith.constant 74 : index
    %get3A_585 = vector.load %arg1[%get3A_582, %get3A_583, %get3A_584] : memref<16x128x128xf32, #tpu.memory_space<vmem>>, vector<16x1x54xf32>
    %get3A_586 = vector.shape_cast %get3A_585 : vector<16x1x54xf32> to vector<16x54xf32>
    %swap3A_587 = arith.constant 0 : index
    %swap3A_588 = arith.constant 6643 : index
    %swap3A_589 = vector.load %arg2[%swap3A_587, %swap3A_588] : memref<16x8128xf32, #tpu.memory_space<vmem>>, vector<16x54xf32>
    tpu.vector_store %arg2[%swap3A_587, %swap3A_588], %get3A_586 {strides = array<i32>} : memref<16x8128xf32, #tpu.memory_space<vmem>>, vector<16x54xf32>,
    %get3A_590 = arith.constant 0 : index
    %get3A_591 = arith.constant 74 : index
    %get3A_592 = arith.constant 75 : index
    %get3A_593 = vector.load %arg1[%get3A_590, %get3A_591, %get3A_592] : memref<16x128x128xf32, #tpu.memory_space<vmem>>, vector<16x1x53xf32>
    %get3A_594 = vector.shape_cast %get3A_593 : vector<16x1x53xf32> to vector<16x53xf32>
    %swap3A_595 = arith.constant 0 : index
    %swap3A_596 = arith.constant 6697 : index
    %swap3A_597 = vector.load %arg2[%swap3A_595, %swap3A_596] : memref<16x8128xf32, #tpu.memory_space<vmem>>, vector<16x53xf32>
    tpu.vector_store %arg2[%swap3A_595, %swap3A_596], %get3A_594 {strides = array<i32>} : memref<16x8128xf32, #tpu.memory_space<vmem>>, vector<16x53xf32>,
    %get3A_598 = arith.constant 0 : index
    %get3A_599 = arith.constant 75 : index
    %get3A_600 = arith.constant 76 : index
    %get3A_601 = vector.load %arg1[%get3A_598, %get3A_599, %get3A_600] : memref<16x128x128xf32, #tpu.memory_space<vmem>>, vector<16x1x52xf32>
    %get3A_602 = vector.shape_cast %get3A_601 : vector<16x1x52xf32> to vector<16x52xf32>
    %swap3A_603 = arith.constant 0 : index
    %swap3A_604 = arith.constant 6750 : index
    %swap3A_605 = vector.load %arg2[%swap3A_603, %swap3A_604] : memref<16x8128xf32, #tpu.memory_space<vmem>>, vector<16x52xf32>
    tpu.vector_store %arg2[%swap3A_603, %swap3A_604], %get3A_602 {strides = array<i32>} : memref<16x8128xf32, #tpu.memory_space<vmem>>, vector<16x52xf32>,
    %get3A_606 = arith.constant 0 : index
    %get3A_607 = arith.constant 76 : index
    %get3A_608 = arith.constant 77 : index
    %get3A_609 = vector.load %arg1[%get3A_606, %get3A_607, %get3A_608] : memref<16x128x128xf32, #tpu.memory_space<vmem>>, vector<16x1x51xf32>
    %get3A_610 = vector.shape_cast %get3A_609 : vector<16x1x51xf32> to vector<16x51xf32>
    %swap3A_611 = arith.constant 0 : index
    %swap3A_612 = arith.constant 6802 : index
    %swap3A_613 = vector.load %arg2[%swap3A_611, %swap3A_612] : memref<16x8128xf32, #tpu.memory_space<vmem>>, vector<16x51xf32>
    tpu.vector_store %arg2[%swap3A_611, %swap3A_612], %get3A_610 {strides = array<i32>} : memref<16x8128xf32, #tpu.memory_space<vmem>>, vector<16x51xf32>,
    %get3A_614 = arith.constant 0 : index
    %get3A_615 = arith.constant 77 : index
    %get3A_616 = arith.constant 78 : index
    %get3A_617 = vector.load %arg1[%get3A_614, %get3A_615, %get3A_616] : memref<16x128x128xf32, #tpu.memory_space<vmem>>, vector<16x1x50xf32>
    %get3A_618 = vector.shape_cast %get3A_617 : vector<16x1x50xf32> to vector<16x50xf32>
    %swap3A_619 = arith.constant 0 : index
    %swap3A_620 = arith.constant 6853 : index
    %swap3A_621 = vector.load %arg2[%swap3A_619, %swap3A_620] : memref<16x8128xf32, #tpu.memory_space<vmem>>, vector<16x50xf32>
    tpu.vector_store %arg2[%swap3A_619, %swap3A_620], %get3A_618 {strides = array<i32>} : memref<16x8128xf32, #tpu.memory_space<vmem>>, vector<16x50xf32>,
    %get3A_622 = arith.constant 0 : index
    %get3A_623 = arith.constant 78 : index
    %get3A_624 = arith.constant 79 : index
    %get3A_625 = vector.load %arg1[%get3A_622, %get3A_623, %get3A_624] : memref<16x128x128xf32, #tpu.memory_space<vmem>>, vector<16x1x49xf32>
    %get3A_626 = vector.shape_cast %get3A_625 : vector<16x1x49xf32> to vector<16x49xf32>
    %swap3A_627 = arith.constant 0 : index
    %swap3A_628 = arith.constant 6903 : index
    %swap3A_629 = vector.load %arg2[%swap3A_627, %swap3A_628] : memref<16x8128xf32, #tpu.memory_space<vmem>>, vector<16x49xf32>
    tpu.vector_store %arg2[%swap3A_627, %swap3A_628], %get3A_626 {strides = array<i32>} : memref<16x8128xf32, #tpu.memory_space<vmem>>, vector<16x49xf32>,
    %get3A_630 = arith.constant 0 : index
    %get3A_631 = arith.constant 79 : index
    %get3A_632 = arith.constant 80 : index
    %get3A_633 = vector.load %arg1[%get3A_630, %get3A_631, %get3A_632] : memref<16x128x128xf32, #tpu.memory_space<vmem>>, vector<16x1x48xf32>
    %get3A_634 = vector.shape_cast %get3A_633 : vector<16x1x48xf32> to vector<16x48xf32>
    %swap3A_635 = arith.constant 0 : index
    %swap3A_636 = arith.constant 6952 : index
    %swap3A_637 = vector.load %arg2[%swap3A_635, %swap3A_636] : memref<16x8128xf32, #tpu.memory_space<vmem>>, vector<16x48xf32>
    tpu.vector_store %arg2[%swap3A_635, %swap3A_636], %get3A_634 {strides = array<i32>} : memref<16x8128xf32, #tpu.memory_space<vmem>>, vector<16x48xf32>,
    %get3A_638 = arith.constant 0 : index
    %get3A_639 = arith.constant 80 : index
    %get3A_640 = arith.constant 81 : index
    %get3A_641 = vector.load %arg1[%get3A_638, %get3A_639, %get3A_640] : memref<16x128x128xf32, #tpu.memory_space<vmem>>, vector<16x1x47xf32>
    %get3A_642 = vector.shape_cast %get3A_641 : vector<16x1x47xf32> to vector<16x47xf32>
    %swap3A_643 = arith.constant 0 : index
    %swap3A_644 = arith.constant 7000 : index
    %swap3A_645 = vector.load %arg2[%swap3A_643, %swap3A_644] : memref<16x8128xf32, #tpu.memory_space<vmem>>, vector<16x47xf32>
    tpu.vector_store %arg2[%swap3A_643, %swap3A_644], %get3A_642 {strides = array<i32>} : memref<16x8128xf32, #tpu.memory_space<vmem>>, vector<16x47xf32>,
    %get3A_646 = arith.constant 0 : index
    %get3A_647 = arith.constant 81 : index
    %get3A_648 = arith.constant 82 : index
    %get3A_649 = vector.load %arg1[%get3A_646, %get3A_647, %get3A_648] : memref<16x128x128xf32, #tpu.memory_space<vmem>>, vector<16x1x46xf32>
    %get3A_650 = vector.shape_cast %get3A_649 : vector<16x1x46xf32> to vector<16x46xf32>
    %swap3A_651 = arith.constant 0 : index
    %swap3A_652 = arith.constant 7047 : index
    %swap3A_653 = vector.load %arg2[%swap3A_651, %swap3A_652] : memref<16x8128xf32, #tpu.memory_space<vmem>>, vector<16x46xf32>
    tpu.vector_store %arg2[%swap3A_651, %swap3A_652], %get3A_650 {strides = array<i32>} : memref<16x8128xf32, #tpu.memory_space<vmem>>, vector<16x46xf32>,
    %get3A_654 = arith.constant 0 : index
    %get3A_655 = arith.constant 82 : index
    %get3A_656 = arith.constant 83 : index
    %get3A_657 = vector.load %arg1[%get3A_654, %get3A_655, %get3A_656] : memref<16x128x128xf32, #tpu.memory_space<vmem>>, vector<16x1x45xf32>
    %get3A_658 = vector.shape_cast %get3A_657 : vector<16x1x45xf32> to vector<16x45xf32>
    %swap3A_659 = arith.constant 0 : index
    %swap3A_660 = arith.constant 7093 : index
    %swap3A_661 = vector.load %arg2[%swap3A_659, %swap3A_660] : memref<16x8128xf32, #tpu.memory_space<vmem>>, vector<16x45xf32>
    tpu.vector_store %arg2[%swap3A_659, %swap3A_660], %get3A_658 {strides = array<i32>} : memref<16x8128xf32, #tpu.memory_space<vmem>>, vector<16x45xf32>,
    %get3A_662 = arith.constant 0 : index
    %get3A_663 = arith.constant 83 : index
    %get3A_664 = arith.constant 84 : index
    %get3A_665 = vector.load %arg1[%get3A_662, %get3A_663, %get3A_664] : memref<16x128x128xf32, #tpu.memory_space<vmem>>, vector<16x1x44xf32>
    %get3A_666 = vector.shape_cast %get3A_665 : vector<16x1x44xf32> to vector<16x44xf32>
    %swap3A_667 = arith.constant 0 : index
    %swap3A_668 = arith.constant 7138 : index
    %swap3A_669 = vector.load %arg2[%swap3A_667, %swap3A_668] : memref<16x8128xf32, #tpu.memory_space<vmem>>, vector<16x44xf32>
    tpu.vector_store %arg2[%swap3A_667, %swap3A_668], %get3A_666 {strides = array<i32>} : memref<16x8128xf32, #tpu.memory_space<vmem>>, vector<16x44xf32>,
    %get3A_670 = arith.constant 0 : index
    %get3A_671 = arith.constant 84 : index
    %get3A_672 = arith.constant 85 : index
    %get3A_673 = vector.load %arg1[%get3A_670, %get3A_671, %get3A_672] : memref<16x128x128xf32, #tpu.memory_space<vmem>>, vector<16x1x43xf32>
    %get3A_674 = vector.shape_cast %get3A_673 : vector<16x1x43xf32> to vector<16x43xf32>
    %swap3A_675 = arith.constant 0 : index
    %swap3A_676 = arith.constant 7182 : index
    %swap3A_677 = vector.load %arg2[%swap3A_675, %swap3A_676] : memref<16x8128xf32, #tpu.memory_space<vmem>>, vector<16x43xf32>
    tpu.vector_store %arg2[%swap3A_675, %swap3A_676], %get3A_674 {strides = array<i32>} : memref<16x8128xf32, #tpu.memory_space<vmem>>, vector<16x43xf32>,
    %get3A_678 = arith.constant 0 : index
    %get3A_679 = arith.constant 85 : index
    %get3A_680 = arith.constant 86 : index
    %get3A_681 = vector.load %arg1[%get3A_678, %get3A_679, %get3A_680] : memref<16x128x128xf32, #tpu.memory_space<vmem>>, vector<16x1x42xf32>
    %get3A_682 = vector.shape_cast %get3A_681 : vector<16x1x42xf32> to vector<16x42xf32>
    %swap3A_683 = arith.constant 0 : index
    %swap3A_684 = arith.constant 7225 : index
    %swap3A_685 = vector.load %arg2[%swap3A_683, %swap3A_684] : memref<16x8128xf32, #tpu.memory_space<vmem>>, vector<16x42xf32>
    tpu.vector_store %arg2[%swap3A_683, %swap3A_684], %get3A_682 {strides = array<i32>} : memref<16x8128xf32, #tpu.memory_space<vmem>>, vector<16x42xf32>,
    %get3A_686 = arith.constant 0 : index
    %get3A_687 = arith.constant 86 : index
    %get3A_688 = arith.constant 87 : index
    %get3A_689 = vector.load %arg1[%get3A_686, %get3A_687, %get3A_688] : memref<16x128x128xf32, #tpu.memory_space<vmem>>, vector<16x1x41xf32>
    %get3A_690 = vector.shape_cast %get3A_689 : vector<16x1x41xf32> to vector<16x41xf32>
    %swap3A_691 = arith.constant 0 : index
    %swap3A_692 = arith.constant 7267 : index
    %swap3A_693 = vector.load %arg2[%swap3A_691, %swap3A_692] : memref<16x8128xf32, #tpu.memory_space<vmem>>, vector<16x41xf32>
    tpu.vector_store %arg2[%swap3A_691, %swap3A_692], %get3A_690 {strides = array<i32>} : memref<16x8128xf32, #tpu.memory_space<vmem>>, vector<16x41xf32>,
    %get3A_694 = arith.constant 0 : index
    %get3A_695 = arith.constant 87 : index
    %get3A_696 = arith.constant 88 : index
    %get3A_697 = vector.load %arg1[%get3A_694, %get3A_695, %get3A_696] : memref<16x128x128xf32, #tpu.memory_space<vmem>>, vector<16x1x40xf32>
    %get3A_698 = vector.shape_cast %get3A_697 : vector<16x1x40xf32> to vector<16x40xf32>
    %swap3A_699 = arith.constant 0 : index
    %swap3A_700 = arith.constant 7308 : index
    %swap3A_701 = vector.load %arg2[%swap3A_699, %swap3A_700] : memref<16x8128xf32, #tpu.memory_space<vmem>>, vector<16x40xf32>
    tpu.vector_store %arg2[%swap3A_699, %swap3A_700], %get3A_698 {strides = array<i32>} : memref<16x8128xf32, #tpu.memory_space<vmem>>, vector<16x40xf32>,
    %get3A_702 = arith.constant 0 : index
    %get3A_703 = arith.constant 88 : index
    %get3A_704 = arith.constant 89 : index
    %get3A_705 = vector.load %arg1[%get3A_702, %get3A_703, %get3A_704] : memref<16x128x128xf32, #tpu.memory_space<vmem>>, vector<16x1x39xf32>
    %get3A_706 = vector.shape_cast %get3A_705 : vector<16x1x39xf32> to vector<16x39xf32>
    %swap3A_707 = arith.constant 0 : index
    %swap3A_708 = arith.constant 7348 : index
    %swap3A_709 = vector.load %arg2[%swap3A_707, %swap3A_708] : memref<16x8128xf32, #tpu.memory_space<vmem>>, vector<16x39xf32>
    tpu.vector_store %arg2[%swap3A_707, %swap3A_708], %get3A_706 {strides = array<i32>} : memref<16x8128xf32, #tpu.memory_space<vmem>>, vector<16x39xf32>,
    %get3A_710 = arith.constant 0 : index
    %get3A_711 = arith.constant 89 : index
    %get3A_712 = arith.constant 90 : index
    %get3A_713 = vector.load %arg1[%get3A_710, %get3A_711, %get3A_712] : memref<16x128x128xf32, #tpu.memory_space<vmem>>, vector<16x1x38xf32>
    %get3A_714 = vector.shape_cast %get3A_713 : vector<16x1x38xf32> to vector<16x38xf32>
    %swap3A_715 = arith.constant 0 : index
    %swap3A_716 = arith.constant 7387 : index
    %swap3A_717 = vector.load %arg2[%swap3A_715, %swap3A_716] : memref<16x8128xf32, #tpu.memory_space<vmem>>, vector<16x38xf32>
    tpu.vector_store %arg2[%swap3A_715, %swap3A_716], %get3A_714 {strides = array<i32>} : memref<16x8128xf32, #tpu.memory_space<vmem>>, vector<16x38xf32>,
    %get3A_718 = arith.constant 0 : index
    %get3A_719 = arith.constant 90 : index
    %get3A_720 = arith.constant 91 : index
    %get3A_721 = vector.load %arg1[%get3A_718, %get3A_719, %get3A_720] : memref<16x128x128xf32, #tpu.memory_space<vmem>>, vector<16x1x37xf32>
    %get3A_722 = vector.shape_cast %get3A_721 : vector<16x1x37xf32> to vector<16x37xf32>
    %swap3A_723 = arith.constant 0 : index
    %swap3A_724 = arith.constant 7425 : index
    %swap3A_725 = vector.load %arg2[%swap3A_723, %swap3A_724] : memref<16x8128xf32, #tpu.memory_space<vmem>>, vector<16x37xf32>
    tpu.vector_store %arg2[%swap3A_723, %swap3A_724], %get3A_722 {strides = array<i32>} : memref<16x8128xf32, #tpu.memory_space<vmem>>, vector<16x37xf32>,
    %get3A_726 = arith.constant 0 : index
    %get3A_727 = arith.constant 91 : index
    %get3A_728 = arith.constant 92 : index
    %get3A_729 = vector.load %arg1[%get3A_726, %get3A_727, %get3A_728] : memref<16x128x128xf32, #tpu.memory_space<vmem>>, vector<16x1x36xf32>
    %get3A_730 = vector.shape_cast %get3A_729 : vector<16x1x36xf32> to vector<16x36xf32>
    %swap3A_731 = arith.constant 0 : index
    %swap3A_732 = arith.constant 7462 : index
    %swap3A_733 = vector.load %arg2[%swap3A_731, %swap3A_732] : memref<16x8128xf32, #tpu.memory_space<vmem>>, vector<16x36xf32>
    tpu.vector_store %arg2[%swap3A_731, %swap3A_732], %get3A_730 {strides = array<i32>} : memref<16x8128xf32, #tpu.memory_space<vmem>>, vector<16x36xf32>,
    %get3A_734 = arith.constant 0 : index
    %get3A_735 = arith.constant 92 : index
    %get3A_736 = arith.constant 93 : index
    %get3A_737 = vector.load %arg1[%get3A_734, %get3A_735, %get3A_736] : memref<16x128x128xf32, #tpu.memory_space<vmem>>, vector<16x1x35xf32>
    %get3A_738 = vector.shape_cast %get3A_737 : vector<16x1x35xf32> to vector<16x35xf32>
    %swap3A_739 = arith.constant 0 : index
    %swap3A_740 = arith.constant 7498 : index
    %swap3A_741 = vector.load %arg2[%swap3A_739, %swap3A_740] : memref<16x8128xf32, #tpu.memory_space<vmem>>, vector<16x35xf32>
    tpu.vector_store %arg2[%swap3A_739, %swap3A_740], %get3A_738 {strides = array<i32>} : memref<16x8128xf32, #tpu.memory_space<vmem>>, vector<16x35xf32>,
    %get3A_742 = arith.constant 0 : index
    %get3A_743 = arith.constant 93 : index
    %get3A_744 = arith.constant 94 : index
    %get3A_745 = vector.load %arg1[%get3A_742, %get3A_743, %get3A_744] : memref<16x128x128xf32, #tpu.memory_space<vmem>>, vector<16x1x34xf32>
    %get3A_746 = vector.shape_cast %get3A_745 : vector<16x1x34xf32> to vector<16x34xf32>
    %swap3A_747 = arith.constant 0 : index
    %swap3A_748 = arith.constant 7533 : index
    %swap3A_749 = vector.load %arg2[%swap3A_747, %swap3A_748] : memref<16x8128xf32, #tpu.memory_space<vmem>>, vector<16x34xf32>
    tpu.vector_store %arg2[%swap3A_747, %swap3A_748], %get3A_746 {strides = array<i32>} : memref<16x8128xf32, #tpu.memory_space<vmem>>, vector<16x34xf32>,
    %get3A_750 = arith.constant 0 : index
    %get3A_751 = arith.constant 94 : index
    %get3A_752 = arith.constant 95 : index
    %get3A_753 = vector.load %arg1[%get3A_750, %get3A_751, %get3A_752] : memref<16x128x128xf32, #tpu.memory_space<vmem>>, vector<16x1x33xf32>
    %get3A_754 = vector.shape_cast %get3A_753 : vector<16x1x33xf32> to vector<16x33xf32>
    %swap3A_755 = arith.constant 0 : index
    %swap3A_756 = arith.constant 7567 : index
    %swap3A_757 = vector.load %arg2[%swap3A_755, %swap3A_756] : memref<16x8128xf32, #tpu.memory_space<vmem>>, vector<16x33xf32>
    tpu.vector_store %arg2[%swap3A_755, %swap3A_756], %get3A_754 {strides = array<i32>} : memref<16x8128xf32, #tpu.memory_space<vmem>>, vector<16x33xf32>,
    %get3A_758 = arith.constant 0 : index
    %get3A_759 = arith.constant 95 : index
    %get3A_760 = arith.constant 96 : index
    %get3A_761 = vector.load %arg1[%get3A_758, %get3A_759, %get3A_760] : memref<16x128x128xf32, #tpu.memory_space<vmem>>, vector<16x1x32xf32>
    %get3A_762 = vector.shape_cast %get3A_761 : vector<16x1x32xf32> to vector<16x32xf32>
    %swap3A_763 = arith.constant 0 : index
    %swap3A_764 = arith.constant 7600 : index
    %swap3A_765 = vector.load %arg2[%swap3A_763, %swap3A_764] : memref<16x8128xf32, #tpu.memory_space<vmem>>, vector<16x32xf32>
    tpu.vector_store %arg2[%swap3A_763, %swap3A_764], %get3A_762 {strides = array<i32>} : memref<16x8128xf32, #tpu.memory_space<vmem>>, vector<16x32xf32>,
    %get3A_766 = arith.constant 0 : index
    %get3A_767 = arith.constant 96 : index
    %get3A_768 = arith.constant 97 : index
    %get3A_769 = vector.load %arg1[%get3A_766, %get3A_767, %get3A_768] : memref<16x128x128xf32, #tpu.memory_space<vmem>>, vector<16x1x31xf32>
    %get3A_770 = vector.shape_cast %get3A_769 : vector<16x1x31xf32> to vector<16x31xf32>
    %swap3A_771 = arith.constant 0 : index
    %swap3A_772 = arith.constant 7632 : index
    %swap3A_773 = vector.load %arg2[%swap3A_771, %swap3A_772] : memref<16x8128xf32, #tpu.memory_space<vmem>>, vector<16x31xf32>
    tpu.vector_store %arg2[%swap3A_771, %swap3A_772], %get3A_770 {strides = array<i32>} : memref<16x8128xf32, #tpu.memory_space<vmem>>, vector<16x31xf32>,
    %get3A_774 = arith.constant 0 : index
    %get3A_775 = arith.constant 97 : index
    %get3A_776 = arith.constant 98 : index
    %get3A_777 = vector.load %arg1[%get3A_774, %get3A_775, %get3A_776] : memref<16x128x128xf32, #tpu.memory_space<vmem>>, vector<16x1x30xf32>
    %get3A_778 = vector.shape_cast %get3A_777 : vector<16x1x30xf32> to vector<16x30xf32>
    %swap3A_779 = arith.constant 0 : index
    %swap3A_780 = arith.constant 7663 : index
    %swap3A_781 = vector.load %arg2[%swap3A_779, %swap3A_780] : memref<16x8128xf32, #tpu.memory_space<vmem>>, vector<16x30xf32>
    tpu.vector_store %arg2[%swap3A_779, %swap3A_780], %get3A_778 {strides = array<i32>} : memref<16x8128xf32, #tpu.memory_space<vmem>>, vector<16x30xf32>,
    %get3A_782 = arith.constant 0 : index
    %get3A_783 = arith.constant 98 : index
    %get3A_784 = arith.constant 99 : index
    %get3A_785 = vector.load %arg1[%get3A_782, %get3A_783, %get3A_784] : memref<16x128x128xf32, #tpu.memory_space<vmem>>, vector<16x1x29xf32>
    %get3A_786 = vector.shape_cast %get3A_785 : vector<16x1x29xf32> to vector<16x29xf32>
    %swap3A_787 = arith.constant 0 : index
    %swap3A_788 = arith.constant 7693 : index
    %swap3A_789 = vector.load %arg2[%swap3A_787, %swap3A_788] : memref<16x8128xf32, #tpu.memory_space<vmem>>, vector<16x29xf32>
    tpu.vector_store %arg2[%swap3A_787, %swap3A_788], %get3A_786 {strides = array<i32>} : memref<16x8128xf32, #tpu.memory_space<vmem>>, vector<16x29xf32>,
    %get3A_790 = arith.constant 0 : index
    %get3A_791 = arith.constant 99 : index
    %get3A_792 = arith.constant 100 : index
    %get3A_793 = vector.load %arg1[%get3A_790, %get3A_791, %get3A_792] : memref<16x128x128xf32, #tpu.memory_space<vmem>>, vector<16x1x28xf32>
    %get3A_794 = vector.shape_cast %get3A_793 : vector<16x1x28xf32> to vector<16x28xf32>
    %swap3A_795 = arith.constant 0 : index
    %swap3A_796 = arith.constant 7722 : index
    %swap3A_797 = vector.load %arg2[%swap3A_795, %swap3A_796] : memref<16x8128xf32, #tpu.memory_space<vmem>>, vector<16x28xf32>
    tpu.vector_store %arg2[%swap3A_795, %swap3A_796], %get3A_794 {strides = array<i32>} : memref<16x8128xf32, #tpu.memory_space<vmem>>, vector<16x28xf32>,
    %get3A_798 = arith.constant 0 : index
    %get3A_799 = arith.constant 100 : index
    %get3A_800 = arith.constant 101 : index
    %get3A_801 = vector.load %arg1[%get3A_798, %get3A_799, %get3A_800] : memref<16x128x128xf32, #tpu.memory_space<vmem>>, vector<16x1x27xf32>
    %get3A_802 = vector.shape_cast %get3A_801 : vector<16x1x27xf32> to vector<16x27xf32>
    %swap3A_803 = arith.constant 0 : index
    %swap3A_804 = arith.constant 7750 : index
    %swap3A_805 = vector.load %arg2[%swap3A_803, %swap3A_804] : memref<16x8128xf32, #tpu.memory_space<vmem>>, vector<16x27xf32>
    tpu.vector_store %arg2[%swap3A_803, %swap3A_804], %get3A_802 {strides = array<i32>} : memref<16x8128xf32, #tpu.memory_space<vmem>>, vector<16x27xf32>,
    %get3A_806 = arith.constant 0 : index
    %get3A_807 = arith.constant 101 : index
    %get3A_808 = arith.constant 102 : index
    %get3A_809 = vector.load %arg1[%get3A_806, %get3A_807, %get3A_808] : memref<16x128x128xf32, #tpu.memory_space<vmem>>, vector<16x1x26xf32>
    %get3A_810 = vector.shape_cast %get3A_809 : vector<16x1x26xf32> to vector<16x26xf32>
    %swap3A_811 = arith.constant 0 : index
    %swap3A_812 = arith.constant 7777 : index
    %swap3A_813 = vector.load %arg2[%swap3A_811, %swap3A_812] : memref<16x8128xf32, #tpu.memory_space<vmem>>, vector<16x26xf32>
    tpu.vector_store %arg2[%swap3A_811, %swap3A_812], %get3A_810 {strides = array<i32>} : memref<16x8128xf32, #tpu.memory_space<vmem>>, vector<16x26xf32>,
    %get3A_814 = arith.constant 0 : index
    %get3A_815 = arith.constant 102 : index
    %get3A_816 = arith.constant 103 : index
    %get3A_817 = vector.load %arg1[%get3A_814, %get3A_815, %get3A_816] : memref<16x128x128xf32, #tpu.memory_space<vmem>>, vector<16x1x25xf32>
    %get3A_818 = vector.shape_cast %get3A_817 : vector<16x1x25xf32> to vector<16x25xf32>
    %swap3A_819 = arith.constant 0 : index
    %swap3A_820 = arith.constant 7803 : index
    %swap3A_821 = vector.load %arg2[%swap3A_819, %swap3A_820] : memref<16x8128xf32, #tpu.memory_space<vmem>>, vector<16x25xf32>
    tpu.vector_store %arg2[%swap3A_819, %swap3A_820], %get3A_818 {strides = array<i32>} : memref<16x8128xf32, #tpu.memory_space<vmem>>, vector<16x25xf32>,
    %get3A_822 = arith.constant 0 : index
    %get3A_823 = arith.constant 103 : index
    %get3A_824 = arith.constant 104 : index
    %get3A_825 = vector.load %arg1[%get3A_822, %get3A_823, %get3A_824] : memref<16x128x128xf32, #tpu.memory_space<vmem>>, vector<16x1x24xf32>
    %get3A_826 = vector.shape_cast %get3A_825 : vector<16x1x24xf32> to vector<16x24xf32>
    %swap3A_827 = arith.constant 0 : index
    %swap3A_828 = arith.constant 7828 : index
    %swap3A_829 = vector.load %arg2[%swap3A_827, %swap3A_828] : memref<16x8128xf32, #tpu.memory_space<vmem>>, vector<16x24xf32>
    tpu.vector_store %arg2[%swap3A_827, %swap3A_828], %get3A_826 {strides = array<i32>} : memref<16x8128xf32, #tpu.memory_space<vmem>>, vector<16x24xf32>,
    %get3A_830 = arith.constant 0 : index
    %get3A_831 = arith.constant 104 : index
    %get3A_832 = arith.constant 105 : index
    %get3A_833 = vector.load %arg1[%get3A_830, %get3A_831, %get3A_832] : memref<16x128x128xf32, #tpu.memory_space<vmem>>, vector<16x1x23xf32>
    %get3A_834 = vector.shape_cast %get3A_833 : vector<16x1x23xf32> to vector<16x23xf32>
    %swap3A_835 = arith.constant 0 : index
    %swap3A_836 = arith.constant 7852 : index
    %swap3A_837 = vector.load %arg2[%swap3A_835, %swap3A_836] : memref<16x8128xf32, #tpu.memory_space<vmem>>, vector<16x23xf32>
    tpu.vector_store %arg2[%swap3A_835, %swap3A_836], %get3A_834 {strides = array<i32>} : memref<16x8128xf32, #tpu.memory_space<vmem>>, vector<16x23xf32>,
    %get3A_838 = arith.constant 0 : index
    %get3A_839 = arith.constant 105 : index
    %get3A_840 = arith.constant 106 : index
    %get3A_841 = vector.load %arg1[%get3A_838, %get3A_839, %get3A_840] : memref<16x128x128xf32, #tpu.memory_space<vmem>>, vector<16x1x22xf32>
    %get3A_842 = vector.shape_cast %get3A_841 : vector<16x1x22xf32> to vector<16x22xf32>
    %swap3A_843 = arith.constant 0 : index
    %swap3A_844 = arith.constant 7875 : index
    %swap3A_845 = vector.load %arg2[%swap3A_843, %swap3A_844] : memref<16x8128xf32, #tpu.memory_space<vmem>>, vector<16x22xf32>
    tpu.vector_store %arg2[%swap3A_843, %swap3A_844], %get3A_842 {strides = array<i32>} : memref<16x8128xf32, #tpu.memory_space<vmem>>, vector<16x22xf32>,
    %get3A_846 = arith.constant 0 : index
    %get3A_847 = arith.constant 106 : index
    %get3A_848 = arith.constant 107 : index
    %get3A_849 = vector.load %arg1[%get3A_846, %get3A_847, %get3A_848] : memref<16x128x128xf32, #tpu.memory_space<vmem>>, vector<16x1x21xf32>
    %get3A_850 = vector.shape_cast %get3A_849 : vector<16x1x21xf32> to vector<16x21xf32>
    %swap3A_851 = arith.constant 0 : index
    %swap3A_852 = arith.constant 7897 : index
    %swap3A_853 = vector.load %arg2[%swap3A_851, %swap3A_852] : memref<16x8128xf32, #tpu.memory_space<vmem>>, vector<16x21xf32>
    tpu.vector_store %arg2[%swap3A_851, %swap3A_852], %get3A_850 {strides = array<i32>} : memref<16x8128xf32, #tpu.memory_space<vmem>>, vector<16x21xf32>,
    %get3A_854 = arith.constant 0 : index
    %get3A_855 = arith.constant 107 : index
    %get3A_856 = arith.constant 108 : index
    %get3A_857 = vector.load %arg1[%get3A_854, %get3A_855, %get3A_856] : memref<16x128x128xf32, #tpu.memory_space<vmem>>, vector<16x1x20xf32>
    %get3A_858 = vector.shape_cast %get3A_857 : vector<16x1x20xf32> to vector<16x20xf32>
    %swap3A_859 = arith.constant 0 : index
    %swap3A_860 = arith.constant 7918 : index
    %swap3A_861 = vector.load %arg2[%swap3A_859, %swap3A_860] : memref<16x8128xf32, #tpu.memory_space<vmem>>, vector<16x20xf32>
    tpu.vector_store %arg2[%swap3A_859, %swap3A_860], %get3A_858 {strides = array<i32>} : memref<16x8128xf32, #tpu.memory_space<vmem>>, vector<16x20xf32>,
    %get3A_862 = arith.constant 0 : index
    %get3A_863 = arith.constant 108 : index
    %get3A_864 = arith.constant 109 : index
    %get3A_865 = vector.load %arg1[%get3A_862, %get3A_863, %get3A_864] : memref<16x128x128xf32, #tpu.memory_space<vmem>>, vector<16x1x19xf32>
    %get3A_866 = vector.shape_cast %get3A_865 : vector<16x1x19xf32> to vector<16x19xf32>
    %swap3A_867 = arith.constant 0 : index
    %swap3A_868 = arith.constant 7938 : index
    %swap3A_869 = vector.load %arg2[%swap3A_867, %swap3A_868] : memref<16x8128xf32, #tpu.memory_space<vmem>>, vector<16x19xf32>
    tpu.vector_store %arg2[%swap3A_867, %swap3A_868], %get3A_866 {strides = array<i32>} : memref<16x8128xf32, #tpu.memory_space<vmem>>, vector<16x19xf32>,
    %get3A_870 = arith.constant 0 : index
    %get3A_871 = arith.constant 109 : index
    %get3A_872 = arith.constant 110 : index
    %get3A_873 = vector.load %arg1[%get3A_870, %get3A_871, %get3A_872] : memref<16x128x128xf32, #tpu.memory_space<vmem>>, vector<16x1x18xf32>
    %get3A_874 = vector.shape_cast %get3A_873 : vector<16x1x18xf32> to vector<16x18xf32>
    %swap3A_875 = arith.constant 0 : index
    %swap3A_876 = arith.constant 7957 : index
    %swap3A_877 = vector.load %arg2[%swap3A_875, %swap3A_876] : memref<16x8128xf32, #tpu.memory_space<vmem>>, vector<16x18xf32>
    tpu.vector_store %arg2[%swap3A_875, %swap3A_876], %get3A_874 {strides = array<i32>} : memref<16x8128xf32, #tpu.memory_space<vmem>>, vector<16x18xf32>,
    %get3A_878 = arith.constant 0 : index
    %get3A_879 = arith.constant 110 : index
    %get3A_880 = arith.constant 111 : index
    %get3A_881 = vector.load %arg1[%get3A_878, %get3A_879, %get3A_880] : memref<16x128x128xf32, #tpu.memory_space<vmem>>, vector<16x1x17xf32>
    %get3A_882 = vector.shape_cast %get3A_881 : vector<16x1x17xf32> to vector<16x17xf32>
    %swap3A_883 = arith.constant 0 : index
    %swap3A_884 = arith.constant 7975 : index
    %swap3A_885 = vector.load %arg2[%swap3A_883, %swap3A_884] : memref<16x8128xf32, #tpu.memory_space<vmem>>, vector<16x17xf32>
    tpu.vector_store %arg2[%swap3A_883, %swap3A_884], %get3A_882 {strides = array<i32>} : memref<16x8128xf32, #tpu.memory_space<vmem>>, vector<16x17xf32>,
    %get3A_886 = arith.constant 0 : index
    %get3A_887 = arith.constant 111 : index
    %get3A_888 = arith.constant 112 : index
    %get3A_889 = vector.load %arg1[%get3A_886, %get3A_887, %get3A_888] : memref<16x128x128xf32, #tpu.memory_space<vmem>>, vector<16x1x16xf32>
    %get3A_890 = vector.shape_cast %get3A_889 : vector<16x1x16xf32> to vector<16x16xf32>
    %swap3A_891 = arith.constant 0 : index
    %swap3A_892 = arith.constant 7992 : index
    %swap3A_893 = vector.load %arg2[%swap3A_891, %swap3A_892] : memref<16x8128xf32, #tpu.memory_space<vmem>>, vector<16x16xf32>
    tpu.vector_store %arg2[%swap3A_891, %swap3A_892], %get3A_890 {strides = array<i32>} : memref<16x8128xf32, #tpu.memory_space<vmem>>, vector<16x16xf32>,
    %get3A_894 = arith.constant 0 : index
    %get3A_895 = arith.constant 112 : index
    %get3A_896 = arith.constant 113 : index
    %get3A_897 = vector.load %arg1[%get3A_894, %get3A_895, %get3A_896] : memref<16x128x128xf32, #tpu.memory_space<vmem>>, vector<16x1x15xf32>
    %get3A_898 = vector.shape_cast %get3A_897 : vector<16x1x15xf32> to vector<16x15xf32>
    %swap3A_899 = arith.constant 0 : index
    %swap3A_900 = arith.constant 8008 : index
    %swap3A_901 = vector.load %arg2[%swap3A_899, %swap3A_900] : memref<16x8128xf32, #tpu.memory_space<vmem>>, vector<16x15xf32>
    tpu.vector_store %arg2[%swap3A_899, %swap3A_900], %get3A_898 {strides = array<i32>} : memref<16x8128xf32, #tpu.memory_space<vmem>>, vector<16x15xf32>,
    %get3A_902 = arith.constant 0 : index
    %get3A_903 = arith.constant 113 : index
    %get3A_904 = arith.constant 114 : index
    %get3A_905 = vector.load %arg1[%get3A_902, %get3A_903, %get3A_904] : memref<16x128x128xf32, #tpu.memory_space<vmem>>, vector<16x1x14xf32>
    %get3A_906 = vector.shape_cast %get3A_905 : vector<16x1x14xf32> to vector<16x14xf32>
    %swap3A_907 = arith.constant 0 : index
    %swap3A_908 = arith.constant 8023 : index
    %swap3A_909 = vector.load %arg2[%swap3A_907, %swap3A_908] : memref<16x8128xf32, #tpu.memory_space<vmem>>, vector<16x14xf32>
    tpu.vector_store %arg2[%swap3A_907, %swap3A_908], %get3A_906 {strides = array<i32>} : memref<16x8128xf32, #tpu.memory_space<vmem>>, vector<16x14xf32>,
    %get3A_910 = arith.constant 0 : index
    %get3A_911 = arith.constant 114 : index
    %get3A_912 = arith.constant 115 : index
    %get3A_913 = vector.load %arg1[%get3A_910, %get3A_911, %get3A_912] : memref<16x128x128xf32, #tpu.memory_space<vmem>>, vector<16x1x13xf32>
    %get3A_914 = vector.shape_cast %get3A_913 : vector<16x1x13xf32> to vector<16x13xf32>
    %swap3A_915 = arith.constant 0 : index
    %swap3A_916 = arith.constant 8037 : index
    %swap3A_917 = vector.load %arg2[%swap3A_915, %swap3A_916] : memref<16x8128xf32, #tpu.memory_space<vmem>>, vector<16x13xf32>
    tpu.vector_store %arg2[%swap3A_915, %swap3A_916], %get3A_914 {strides = array<i32>} : memref<16x8128xf32, #tpu.memory_space<vmem>>, vector<16x13xf32>,
    %get3A_918 = arith.constant 0 : index
    %get3A_919 = arith.constant 115 : index
    %get3A_920 = arith.constant 116 : index
    %get3A_921 = vector.load %arg1[%get3A_918, %get3A_919, %get3A_920] : memref<16x128x128xf32, #tpu.memory_space<vmem>>, vector<16x1x12xf32>
    %get3A_922 = vector.shape_cast %get3A_921 : vector<16x1x12xf32> to vector<16x12xf32>
    %swap3A_923 = arith.constant 0 : index
    %swap3A_924 = arith.constant 8050 : index
    %swap3A_925 = vector.load %arg2[%swap3A_923, %swap3A_924] : memref<16x8128xf32, #tpu.memory_space<vmem>>, vector<16x12xf32>
    tpu.vector_store %arg2[%swap3A_923, %swap3A_924], %get3A_922 {strides = array<i32>} : memref<16x8128xf32, #tpu.memory_space<vmem>>, vector<16x12xf32>,
    %get3A_926 = arith.constant 0 : index
    %get3A_927 = arith.constant 116 : index
    %get3A_928 = arith.constant 117 : index
    %get3A_929 = vector.load %arg1[%get3A_926, %get3A_927, %get3A_928] : memref<16x128x128xf32, #tpu.memory_space<vmem>>, vector<16x1x11xf32>
    %get3A_930 = vector.shape_cast %get3A_929 : vector<16x1x11xf32> to vector<16x11xf32>
    %swap3A_931 = arith.constant 0 : index
    %swap3A_932 = arith.constant 8062 : index
    %swap3A_933 = vector.load %arg2[%swap3A_931, %swap3A_932] : memref<16x8128xf32, #tpu.memory_space<vmem>>, vector<16x11xf32>
    tpu.vector_store %arg2[%swap3A_931, %swap3A_932], %get3A_930 {strides = array<i32>} : memref<16x8128xf32, #tpu.memory_space<vmem>>, vector<16x11xf32>,
    %get3A_934 = arith.constant 0 : index
    %get3A_935 = arith.constant 117 : index
    %get3A_936 = arith.constant 118 : index
    %get3A_937 = vector.load %arg1[%get3A_934, %get3A_935, %get3A_936] : memref<16x128x128xf32, #tpu.memory_space<vmem>>, vector<16x1x10xf32>
    %get3A_938 = vector.shape_cast %get3A_937 : vector<16x1x10xf32> to vector<16x10xf32>
    %swap3A_939 = arith.constant 0 : index
    %swap3A_940 = arith.constant 8073 : index
    %swap3A_941 = vector.load %arg2[%swap3A_939, %swap3A_940] : memref<16x8128xf32, #tpu.memory_space<vmem>>, vector<16x10xf32>
    tpu.vector_store %arg2[%swap3A_939, %swap3A_940], %get3A_938 {strides = array<i32>} : memref<16x8128xf32, #tpu.memory_space<vmem>>, vector<16x10xf32>,
    %get3A_942 = arith.constant 0 : index
    %get3A_943 = arith.constant 118 : index
    %get3A_944 = arith.constant 119 : index
    %get3A_945 = vector.load %arg1[%get3A_942, %get3A_943, %get3A_944] : memref<16x128x128xf32, #tpu.memory_space<vmem>>, vector<16x1x9xf32>
    %get3A_946 = vector.shape_cast %get3A_945 : vector<16x1x9xf32> to vector<16x9xf32>
    %swap3A_947 = arith.constant 0 : index
    %swap3A_948 = arith.constant 8083 : index
    %swap3A_949 = vector.load %arg2[%swap3A_947, %swap3A_948] : memref<16x8128xf32, #tpu.memory_space<vmem>>, vector<16x9xf32>
    tpu.vector_store %arg2[%swap3A_947, %swap3A_948], %get3A_946 {strides = array<i32>} : memref<16x8128xf32, #tpu.memory_space<vmem>>, vector<16x9xf32>,
    %get3A_950 = arith.constant 0 : index
    %get3A_951 = arith.constant 119 : index
    %get3A_952 = arith.constant 120 : index
    %get3A_953 = vector.load %arg1[%get3A_950, %get3A_951, %get3A_952] : memref<16x128x128xf32, #tpu.memory_space<vmem>>, vector<16x1x8xf32>
    %get3A_954 = vector.shape_cast %get3A_953 : vector<16x1x8xf32> to vector<16x8xf32>
    %swap3A_955 = arith.constant 0 : index
    %swap3A_956 = arith.constant 8092 : index
    %swap3A_957 = vector.load %arg2[%swap3A_955, %swap3A_956] : memref<16x8128xf32, #tpu.memory_space<vmem>>, vector<16x8xf32>
    tpu.vector_store %arg2[%swap3A_955, %swap3A_956], %get3A_954 {strides = array<i32>} : memref<16x8128xf32, #tpu.memory_space<vmem>>, vector<16x8xf32>,
    %get3A_958 = arith.constant 0 : index
    %get3A_959 = arith.constant 120 : index
    %get3A_960 = arith.constant 121 : index
    %get3A_961 = vector.load %arg1[%get3A_958, %get3A_959, %get3A_960] : memref<16x128x128xf32, #tpu.memory_space<vmem>>, vector<16x1x7xf32>
    %get3A_962 = vector.shape_cast %get3A_961 : vector<16x1x7xf32> to vector<16x7xf32>
    %swap3A_963 = arith.constant 0 : index
    %swap3A_964 = arith.constant 8100 : index
    %swap3A_965 = vector.load %arg2[%swap3A_963, %swap3A_964] : memref<16x8128xf32, #tpu.memory_space<vmem>>, vector<16x7xf32>
    tpu.vector_store %arg2[%swap3A_963, %swap3A_964], %get3A_962 {strides = array<i32>} : memref<16x8128xf32, #tpu.memory_space<vmem>>, vector<16x7xf32>,
    %get3A_966 = arith.constant 0 : index
    %get3A_967 = arith.constant 121 : index
    %get3A_968 = arith.constant 122 : index
    %get3A_969 = vector.load %arg1[%get3A_966, %get3A_967, %get3A_968] : memref<16x128x128xf32, #tpu.memory_space<vmem>>, vector<16x1x6xf32>
    %get3A_970 = vector.shape_cast %get3A_969 : vector<16x1x6xf32> to vector<16x6xf32>
    %swap3A_971 = arith.constant 0 : index
    %swap3A_972 = arith.constant 8107 : index
    %swap3A_973 = vector.load %arg2[%swap3A_971, %swap3A_972] : memref<16x8128xf32, #tpu.memory_space<vmem>>, vector<16x6xf32>
    tpu.vector_store %arg2[%swap3A_971, %swap3A_972], %get3A_970 {strides = array<i32>} : memref<16x8128xf32, #tpu.memory_space<vmem>>, vector<16x6xf32>,
    %get3A_974 = arith.constant 0 : index
    %get3A_975 = arith.constant 122 : index
    %get3A_976 = arith.constant 123 : index
    %get3A_977 = vector.load %arg1[%get3A_974, %get3A_975, %get3A_976] : memref<16x128x128xf32, #tpu.memory_space<vmem>>, vector<16x1x5xf32>
    %get3A_978 = vector.shape_cast %get3A_977 : vector<16x1x5xf32> to vector<16x5xf32>
    %swap3A_979 = arith.constant 0 : index
    %swap3A_980 = arith.constant 8113 : index
    %swap3A_981 = vector.load %arg2[%swap3A_979, %swap3A_980] : memref<16x8128xf32, #tpu.memory_space<vmem>>, vector<16x5xf32>
    tpu.vector_store %arg2[%swap3A_979, %swap3A_980], %get3A_978 {strides = array<i32>} : memref<16x8128xf32, #tpu.memory_space<vmem>>, vector<16x5xf32>,
    %get3A_982 = arith.constant 0 : index
    %get3A_983 = arith.constant 123 : index
    %get3A_984 = arith.constant 124 : index
    %get3A_985 = vector.load %arg1[%get3A_982, %get3A_983, %get3A_984] : memref<16x128x128xf32, #tpu.memory_space<vmem>>, vector<16x1x4xf32>
    %get3A_986 = vector.shape_cast %get3A_985 : vector<16x1x4xf32> to vector<16x4xf32>
    %swap3A_987 = arith.constant 0 : index
    %swap3A_988 = arith.constant 8118 : index
    %swap3A_989 = vector.load %arg2[%swap3A_987, %swap3A_988] : memref<16x8128xf32, #tpu.memory_space<vmem>>, vector<16x4xf32>
    tpu.vector_store %arg2[%swap3A_987, %swap3A_988], %get3A_986 {strides = array<i32>} : memref<16x8128xf32, #tpu.memory_space<vmem>>, vector<16x4xf32>,
    %get3A_990 = arith.constant 0 : index
    %get3A_991 = arith.constant 124 : index
    %get3A_992 = arith.constant 125 : index
    %get3A_993 = vector.load %arg1[%get3A_990, %get3A_991, %get3A_992] : memref<16x128x128xf32, #tpu.memory_space<vmem>>, vector<16x1x3xf32>
    %get3A_994 = vector.shape_cast %get3A_993 : vector<16x1x3xf32> to vector<16x3xf32>
    %swap3A_995 = arith.constant 0 : index
    %swap3A_996 = arith.constant 8122 : index
    %swap3A_997 = vector.load %arg2[%swap3A_995, %swap3A_996] : memref<16x8128xf32, #tpu.memory_space<vmem>>, vector<16x3xf32>
    tpu.vector_store %arg2[%swap3A_995, %swap3A_996], %get3A_994 {strides = array<i32>} : memref<16x8128xf32, #tpu.memory_space<vmem>>, vector<16x3xf32>,
    %get3A_998 = arith.constant 0 : index
    %get3A_999 = arith.constant 125 : index
    %get3A_1000 = arith.constant 126 : index
    %get3A_1001 = vector.load %arg1[%get3A_998, %get3A_999, %get3A_1000] : memref<16x128x128xf32, #tpu.memory_space<vmem>>, vector<16x1x2xf32>
    %get3A_1002 = vector.shape_cast %get3A_1001 : vector<16x1x2xf32> to vector<16x2xf32>
    %swap3A_1003 = arith.constant 0 : index
    %swap3A_1004 = arith.constant 8125 : index
    %swap3A_1005 = vector.load %arg2[%swap3A_1003, %swap3A_1004] : memref<16x8128xf32, #tpu.memory_space<vmem>>, vector<16x2xf32>
    tpu.vector_store %arg2[%swap3A_1003, %swap3A_1004], %get3A_1002 {strides = array<i32>} : memref<16x8128xf32, #tpu.memory_space<vmem>>, vector<16x2xf32>,
    %get3A_1006 = arith.constant 0 : index
    %get3A_1007 = arith.constant 126 : index
    %get3A_1008 = arith.constant 127 : index
    %get3A_1009 = vector.load %arg1[%get3A_1006, %get3A_1007, %get3A_1008] : memref<16x128x128xf32, #tpu.memory_space<vmem>>, vector<16x1x1xf32>
    %get3A_1010 = vector.shape_cast %get3A_1009 : vector<16x1x1xf32> to vector<16x1xf32>
    %swap3A_1011 = arith.constant 0 : index
    %swap3A_1012 = arith.constant 8127 : index
    %swap3A_1013 = vector.load %arg2[%swap3A_1011, %swap3A_1012] : memref<16x8128xf32, #tpu.memory_space<vmem>>, vector<16x1xf32>
    tpu.vector_store %arg2[%swap3A_1011, %swap3A_1012], %get3A_1010 {strides = array<i32>} : memref<16x8128xf32, #tpu.memory_space<vmem>>, vector<16x1xf32>,
    return
  }
  func.func @transform_0(%arg0: i32) -> (i32, i32, i32) {
    %add3A = arith.constant 36 : i32
    %add3A_0 = arith.addi %arg0, %add3A : i32
    %c0_i32 = arith.constant 0 : i32
    %c0_i32_1 = arith.constant 0 : i32
    %c0_i32_2 = arith.constant 0 : i32
    return %add3A_0, %c0_i32, %c0_i32_1 : i32, i32, i32
  }
  func.func @transform_1(%arg0: i32) -> (i32, i32) {
    %add3A = arith.constant 36 : i32
    %add3A_0 = arith.addi %arg0, %add3A : i32
    %c0_i32 = arith.constant 0 : i32
    %c0_i32_1 = arith.constant 0 : i32
    return %add3A_0, %c0_i32 : i32, i32
  }
}

</mosaic_0001>

<sc_bundles>
// kernel: _triu.4.cloned.1.call-start
scs
__scs_entry_jumppad:
0x0: {  	(pc) =	sbr.rel $0x88, $3  }
0x1: {  	(tag) =	ssettag $0x0;
	lr =	simm.s32 $0x1  }
0x2: {  	[smem:$0x3F9E] =	sst lr;
	_ =	strace $0xD0000000  }
0x3: {  	_ = 	snop  }
0x4: {  	_ = 	snop  }
0x5: {  	_ = 	snop  }
0x6: {  	_ = 	snop  }
0x7: {  	_ = 	snop  }
__scs_overlays_trampoline_lowered:
0x8: {  	[smem:$0x3FAD] =	sst s0  }
0x9: {  	[smem:$0x3FAE] =	sst s1  }
0xa: {  	[smem:$0x3FAF] =	sst s2  }
0xb: {  	[smem:$0x3FB0] =	sst s3  }
0xc: {  	[smem:$0x3FB1] =	sst s4  }
0xd: {  	[smem:$0x3FB2] =	sst s5  }
0xe: {  	[smem:$0x3FB3] =	sst s6  }
0xf: {  	[smem:$0x3FB4] =	sst s7  }
0x10: {  	[smem:$0x3FB5] =	sst s8  }
0x11: {  	[smem:$0x3FB6] =	sst s9;
	s0 =	simm.s32 @!p0 $0x0  }
0x12: {  	s1 =	sld [smem:$0x3F9C];
	s0 =	simm.s32 @p0 $0x1  }
0x13: {  	[smem:$0x3FB7] =	sst s0;
	s0 =	simm.s32 @!p1 $0x0  }
0x14: {  	s2 =	sld [smem:$0x3F9B];
	s0 =	simm.s32 @p1 $0x1  }
0x15: {  	[smem:$0x3FB8] =	sst s0;
	s0 =	simm.s32 @!p2 $0x0  }
0x16: {  	s3 =	sld [smem:$0x3FDB];
	s0 =	simm.s32 @p2 $0x1  }
0x17: {  	s4 =	simm.s32 $0x1BF5;
	[smem:$0x3FBA] =	sst s0  }
0x18: {  	s0 =	sld [smem:$0x3F9D];
	_ =	swait.ge [sflag:s4], $0x0  }
0x19: {  	s7 =	sld [smem:$0x3F9E]  }
0x1a: {  	s8 =	sadd.s32 $0xFFFFE003, lr  }
0x1b: {  	s9 =	sadd.s32 $0xFFFFFEF7, lr;
	s5 =	simm.s32 $0xFFFFFFFF;
	p2 =	slt.u32 s8, $0xFFFFF086  }
0x1c: {  	p1 =	slt.u32 s9, $0xF7A;
	s5 =	simm.s32 @!p2 $0x0  }
0x1d: {  	s5 =	simm.s32 @p1 $0x1;
	p0 =	seq.s32 s7, s2  }
0x1e: {  	s7 =	smul.u32 @!p0 $0xF7A, s2;
	p2 =	seq.s32 @!p0 s5, $0x0  }
0x1f: {  	s9 =	smul.u32 $0xF7A, s1;
	s8 =	simm.s32 @!p0 $0x1BF5;
	p2 =	por !p2, p0  }
0x20: {  	[sflag:s8] =	ssyncset.s32 @!p0 $0xFFFFF086;
	s6 =	sadd.s32 @!p0 s3, s7;
	s7 =	simm.s32 @!p0 $0x108  }
0x21: {  	s3 =	sadd.s32 s3, s9;
	s6 =	sadd.s32 @!p0 $0x88, s6;
	s7 =	simm.s32 @p2 $0x1082  }
0x22: {  	[simem:s7], [sflag:s8] =	dma.local @!p0 [hbm:s6], $0xF7A  }
0x23: {  	s9 =	sor.u32 $0xD0000000, s2;
	s6 =	simm.s32 $0x108;
	_ =	swait.ge @!p0 [sflag:s8], $0x0  }
0x24: {  	s3 =	sadd.s32 $0x88, s3;
	s6 =	simm.s32 @!p1 $0x1082;
	[sflag:s4] =	ssyncset.s32 $0xFFFFF086  }
0x25: {  	[simem:s6], [sflag:s4] =	dma.local [hbm:s3], $0xF7A  }
0x26: {  	[smem:$0x3F9E] =	sst s1;
	(tag) =	ssettag s2;
	_ =	strace s9  }
0x27: {  	s1 =	sld [smem:$0x3FAE]  }
0x28: {  	s2 =	sld [smem:$0x3FAF]  }
0x29: {  	s4 =	sld [smem:$0x3FB1]  }
0x2a: {  	p0 =	seq.s32 s5, $0x0;
	s5 =	sld [smem:$0x3FB2]  }
0x2b: {  	s6 =	sld [smem:$0x3FB3]  }
0x2c: {  	s7 =	sld [smem:$0x3FB4]  }
0x2d: {  	s3 =	simm.s32 $0x108;
	s8 =	sld [smem:$0x3FB5]  }
0x2e: {  	s3 =	simm.s32 @!p0 $0x1082;
	s9 =	sld [smem:$0x3FB6]  }
0x2f: {  	lr =	sadd.s32 s0, s3;
	s0 =	sld [smem:$0x3FAD]  }
0x30: {  	s3 =	sld [smem:$0x3FB0]  }
0x31: {  	[smem:$0x3FB9] =	sst s10  }
0x32: {  	s10 =	sld [smem:$0x3FB7];
	_ =	sdelay $0x3  }
0x33: {  	p0 =	seq.s32 s10, $0x1;
	s10 =	sld [smem:$0x3FB9];
	_ =	sdelay $0x3  }
0x34: {  	[smem:$0x3FB9] =	sst s10  }
0x35: {  	s10 =	sld [smem:$0x3FB8];
	_ =	sdelay $0x3  }
0x36: {  	p1 =	seq.s32 s10, $0x1;
	s10 =	sld [smem:$0x3FB9];
	_ =	sdelay $0x3  }
0x37: {  	[smem:$0x3FB9] =	sst s10  }
0x38: {  	s10 =	sld [smem:$0x3FBA]  }
0x39: {  	_ = 	snop;
	(pc) =	sbr.ind lr, $3  }
0x3a: {  	_ = 	snop  }
0x3b: {  	_ = 	snop  }
0x3c: {  	p2 =	seq.s32 s10, $0x1;
	s10 =	sld [smem:$0x3FB9]  }
0x3d: {  	_ =	shalt  }
0x3e: {  	_ =	shalt  }
0x3f: {  	_ =	shalt  }
0x40: {  	_ =	shalt  }
0x41: {  	_ =	shalt  }
0x42: {  	_ =	shalt  }
0x43: {  	_ =	shalt  }
0x44: {  	_ =	shalt  }
0x45: {  	_ =	shalt  }
0x46: {  	_ =	shalt  }
0x47: {  	_ =	shalt  }
0x48: {  	_ =	shalt  }
0x49: {  	_ =	shalt  }
0x4a: {  	_ =	shalt  }
0x4b: {  	_ =	shalt  }
0x4c: {  	_ =	shalt  }
0x4d: {  	_ =	shalt  }
0x4e: {  	_ =	shalt  }
0x4f: {  	_ =	shalt  }
0x50: {  	_ =	shalt  }
0x51: {  	_ =	shalt  }
0x52: {  	_ =	shalt  }
0x53: {  	_ =	shalt  }
0x54: {  	_ =	shalt  }
0x55: {  	_ =	shalt  }
0x56: {  	_ =	shalt  }
0x57: {  	_ =	shalt  }
0x58: {  	_ =	shalt  }
0x59: {  	_ =	shalt  }
0x5a: {  	_ =	shalt  }
0x5b: {  	_ =	shalt  }
0x5c: {  	_ =	shalt  }
0x5d: {  	_ =	shalt  }
0x5e: {  	_ =	shalt  }
0x5f: {  	_ =	shalt  }
0x60: {  	_ =	shalt  }
0x61: {  	_ =	shalt  }
0x62: {  	_ =	shalt  }
0x63: {  	_ =	shalt  }
0x64: {  	_ =	shalt  }
0x65: {  	_ =	shalt  }
0x66: {  	_ =	shalt  }
0x67: {  	_ =	shalt  }
0x68: {  	_ =	shalt  }
0x69: {  	_ =	shalt  }
0x6a: {  	_ =	shalt  }
0x6b: {  	_ =	shalt  }
0x6c: {  	_ =	shalt  }
0x6d: {  	_ =	shalt  }
0x6e: {  	_ =	shalt  }
0x6f: {  	_ =	shalt  }
0x70: {  	_ =	shalt  }
0x71: {  	_ =	shalt  }
0x72: {  	_ =	shalt  }
0x73: {  	_ =	shalt  }
0x74: {  	_ =	shalt  }
0x75: {  	_ =	shalt  }
0x76: {  	_ =	shalt  }
0x77: {  	_ =	shalt  }
0x78: {  	_ =	shalt  }
0x79: {  	_ =	shalt  }
0x7a: {  	_ =	shalt  }
0x7b: {  	_ =	shalt  }
0x7c: {  	_ =	shalt  }
0x7d: {  	_ =	shalt  }
0x7e: {  	_ =	shalt  }
0x7f: {  	_ =	shalt  }
0x80: {  	_ =	shalt  }
0x81: {  	_ =	shalt  }
0x82: {  	_ =	shalt  }
0x83: {  	_ =	shalt  }
0x84: {  	_ =	shalt  }
0x85: {  	_ =	shalt  }
0x86: {  	_ =	shalt  }
0x87: {  	_ =	shalt  }
.Lfunc_end0:
.L_simem_size_0:
called_computation.1_lowered:
.L_overlay_start_0:
0x88: {  	s2 =	sld [smem:$0x3FD9]  }
0x89: {  	s3 =	sld [smem:$0x3FFE];
	_ =	sdelay $0x1  }
0x8a: {  	s1 =	srdreg.scid  }
0x8b: {  	s0 =	sand.u32 $0x1, s1  }
0x8c: {  	s18 =	sshll.u32 s0, $0xA;
	s2 =	sadd.s32 s3, s2  }
0x8d: {  	s2 =	sadd.s32 s2, s18  }
0x8e: {  	[smem:$0x3FC5] =	sst s2  }
0x8f: {  	_ = 	snop  }
0x90: {  	s2 =	sld [smem:$0x3FC9]  }
0x91: {  	s19 =	sld [smem:$0x3FC8]  }
0x92: {  	s4 =	sld [smem:$0x3FC7]  }
0x93: {  	s5 =	sld [smem:$0x3FD0];
	(tm) =	ssettm $0x1  }
0x94: {  	s6 =	sld [smem:$0x3FFB];
	_ =	sdelay $0x3  }
0x95: {  	_ =	strace s6  }
0x96: {  	s6 =	sld [smem:$0x3FFC];
	_ =	sdelay $0x3  }
0x97: {  	_ =	strace s6  }
0x98: {  	s6 =	sld [smem:$0x3FFD];
	_ =	sdelay $0x3  }
0x99: {  	_ =	strace s6  }
0x9a: {  	_ =	strace $0x8FFFFFFF  }
0x9b: {  	s20 =	sld [smem:$0x3FDB];
	_ =	sdelay $0x1  }
0x9c: {  	s7 =	simm.s32 $_scs_section_size  }
0x9d: {  	s8 =	simm.s32 $_size__tile_overlayer_lowered;
	s9 =	simm.s32 $_tile_overlayer_lowered  }
0x9e: {  	s23 =	simm.s32 $0x1BFF;
	s22 =	sshll.u32 s9, $0x1;
	s6 =	sadd.s32 s7, s20  }
0x9f: {  	s10 =	simm.s32 $0x0;
	s21 =	sshll.u32 s8, $0x1;
	s8 =	sadd.s32 s22, s6  }
0xa0: {  	[timem:s10], [sflag:s23] =	dma.local [hbm:s8], s21  }
0xa1: {  	_ =	swait.ge [sflag:s23], s21  }
0xa2: {  	s7 =	ssub.s32 $0x0, s21;
	[sflag:s23] =	ssyncset.done $0x0  }
0xa3: {  	[sflag:s23] =	ssyncadd.s32 s7;
	_ =	sdelay $0x1  }
0xa4: {  	s24 =	simm.s32 $0x1B8B  }
0xa5: {  	_ =	swait.ge [sflag:s24], $0x1  }
0xa6: {  	[sflag:s24] =	ssyncset.done $0x0  }
0xa7: {  	s25 =	simm.s32 $0x1B8E;
	[sflag:s24] =	ssyncadd.s32 $0xFFFFFFFF  }
0xa8: {  	s26 =	simm.s32 $execute0_lowered;
	[smem:$0x3FD2] =	sst s25  }
0xa9: {  	s7 =	sshll.u32 s26, $0x1;
	_ =	strace $0x80000046;
	[dreg:$0x1] =	wrdreg $0xFFFFFFFF  }
0xaa: {  	s28 =	simm.s32 $_size_execute0_lowered;
	s6 =	sadd.s32 s6, s7;
	[dreg:$0x0] =	wrdreg $0x0  }
0xab: {  	s7 =	sshll.u32 s28, $0x1;
	[dreg:$0x2] =	wrdreg s6  }
0xac: {  	[dreg:$0x3] =	wrdreg s7  }
0xad: {  	[dreg:$0x4] =	wrdreg $0xC0  }
0xae: {  	_ =	task [dreg:s10], $0x5FFFF  }
0xaf: {  	[dreg:$0x1] =	wrdreg $0xFFFFFFFF  }
0xb0: {  	[dreg:$0x0] =	wrdreg $0x60  }
0xb1: {  	[dreg:$0x2] =	wrdreg s2  }
0xb2: {  	[dreg:$0x3] =	wrdreg s19  }
0xb3: {  	[dreg:$0x4] =	wrdreg s4  }
0xb4: {  	[dreg:$0x5] =	wrdreg s5  }
0xb5: {  	[dreg:$0x6] =	wrdreg $0x9  }
0xb6: {  	_ =	task.clear_ibuf [dreg:s10], $0x7FFFF;
	_ =	strace $0x90000046  }
0xb7: {  	s29 =	simm.s32 $0x9;
	_ =	strace $0x80000048  }
0xb8: {  	_ =	swait.ge [sflag:s29], $0x1  }
0xb9: {  	[sflag:s29] =	ssyncadd.s32 $0xFFFFFFFF  }
0xba: {  	_ =	strace $0x90000048  }
0xbb: {  	_ =	sfence  }
0xbc: {  	s30 =	sld [smem:$0x0];
	_ =	sdelay $0x2  }
0xbd: {  	s31 =	sshll.u32 s1, $0xD;
	s1 =	sshrl.u32 s1, $0x2  }
0xbe: {  	s3 =	sand.u32 $0x4000, s31;
	s1 =	sadd.s32 s1, s30  }
0xbf: {  	s0 =	sor.u32 s3, s0;
	s1 =	sshll.u32 s1, $0x11  }
0xc0: {  	s0 =	sor.u32 s1, s0  }
0xc1: {  	s0 =	sadd.s32 $0x8F2B, s0  }
0xc2: {  	[sflag:s0] =	ssyncadd.remote.s32 $0x1  }
0xc3: {  	_ =	sfence.sel $0xFFFF  }
0xc4: {  	[dreg:$0x0] =	wrdreg $0xFFFFFFFF;
	(pc) =	sbr.abs _section_cstart, $3  }
0xc5: {  	[dreg:$0x1] =	wrdreg $0xFFFFFFFF  }
0xc6: {  	_ =	task.clear_ibuf [dreg:s10], $0x2FFFF;
	_ =	strace $0x9FFFFFFF  }
0xc7: {  	(tm) =	ssettm $0x7FFFFFFF  }
tec
execute0_lowered:
.L_overlay_start_1:
0x0: {  	(tag) =	ssettag $0x1  }
0x1: {  	s1 =	rddreg [dreg:$0x0]  }
0x2: {  	s2 =	rddreg [dreg:$0x1];
	s3 =	srdreg.scid  }
0x3: {  	s0 =	stileid.u32;
	s4 =	rddreg [dreg:$0x2]  }
0x4: {  	s5 =	rddreg [dreg:$0x3];
	s6 =	simm.s32 $0x0;
	s11 =	simm.s32 $0xC000  }
0x5: {  	s12 =	simm.s32 $0x3;
	s13 =	simm.s32 $0xE000;
	s14 =	simm.s32 $0x4000  }
0x6: {  	s15 =	simm.s32 $0x1;
	s16 =	simm.s32 $0x80;
	s17 =	simm.s32 $0x400  }
0x7: {  	s18 =	simm.s32 $0x8000;
	s8 =	sand.u32 $0x1, s3;
	s31 =	sshll.u32 s0, $0x1  }
0x8: {  	s19 =	simm.s32 $0xA000;
	s20 =	simm.s32 $0x2;
	s9 =	sor.u32 s8, s31  }
0x9: {  	s21 =	simm.s32 $0x0;
	s8 =	ssub.s32 $0x2, s8;
	s7 =	smul.u32 $0x12, s9  }
0xa: {  	[smem:$0x7FF] =	sst s6;
	s9 =	smul.u32 $0x9000, s9;
	s10 =	sshrl.u32 s8, $0x1  }
0xb: {  	s3 =	rddreg [dreg:$0x4];
	_ =	strace $0x80000047;
	s10 =	ssub.s32 s8, s10  }
0xc: {  	s8 =	sadd.s32 s1, s9;
	s9 =	sadd.s32 $0x12, s7;
	s10 =	smax.u32 s10, $0x1  }
.LBB2_1:
0xd: {  	[tilespmem:s11], [sflag:$0x3] =	stream.linear.gather [hbm4b:s2+s6], $0x2000, $0x38;
	[tilespmem:$0x10000] =	vst v63  }
0xe: {  	_ =	swait.ge [sflag:s12], $0x2000  }
0xf: {  	[sflag:s12] =	ssyncset.done $0x0  }
0x10: {  	[sflag:s12] =	ssyncadd.s32 $0xFFFFE000  }
0x11: {  	[tilespmem:s13], [sflag:$0x3] =	stream.linear.gather [hbm4b:s4+s6], $0x2000, $0x38;
	[tilespmem:$0x10000] =	vst v63  }
0x12: {  	_ =	swait.ge [sflag:s12], $0x2000  }
0x13: {  	[sflag:s12] =	ssyncset.done $0x0  }
0x14: {  	s22 =	simm.s32 $0x0;
	[sflag:s12] =	ssyncadd.s32 $0xFFFFE000  }
0x15: {  	[tilespmem:s6], [sflag:$0x1] =	stream.linear.gather [hbm4b:s8+s6], $0x4000, $0x38;
	[tilespmem:$0x10000] =	vst v63  }
.LBB2_2:
0x16: {  	s23 =	sshll.u32 s22, $0x1  }
0x17: {  	s24 =	sadd.s32 s7, s23  }
0x18: {  	s23 =	sor.u32 $0x1, s24  }
0x19: {  	s25 =	sshll.u32 s23, $0xB  }
0x1a: {  	s25 =	sand.u32 $0x1FFFF800, s25  }
0x1b: {  	s25 =	sadd.s32 s1, s25  }
0x1c: {  	[tilespmem:s14], [sflag:$0x1] =	stream.linear.gather [hbm4b:s25+s6], $0x4000, $0x38;
	[tilespmem:$0x10000] =	vst v63  }
0x1d: {  	_ =	swait.ge [sflag:s15], $0x4000  }
0x1e: {  	p0 =	seq.s32 s22, $0x0;
	[sflag:s15] =	ssyncset.done $0x0  }
0x1f: {  	s25 =	simm.s32 @!p0 $0x2;
	[sflag:s15] =	ssyncadd.s32 $0xFFFFC000  }
0x20: {  	_ =	swait.ge @!p0 [sflag:s25], $0x2000  }
0x21: {  	s26 =	simm.s32 $0xC040;
	s28 =	simm.s32 $0xE040;
	[sflag:s25] =	ssyncset.done @!p0 $0x0  }
0x22: {  	s29 =	simm.s32 $0x8040;
	[sflag:s25] =	ssyncadd.s32 @!p0 $0xFFFFE000;
	s25 =	simm.s32 $0xFFFFFFF8  }
.LBB2_3:
0x23: {  	v0 =	vld [tilespmem:s26+$0xFFFFFFC0]  }
0x24: {  	v1 =	vld [tilespmem:s28+$0xFFFFFFC0];
	_ =	sdelay $0x4  }
0x25: {  	v2 =	vand.u32 $0xFFFFFF80, v1;
	v0 =	vshll.u32 v0, $0x7  }
0x26: {  	v1 =	vand.u32 $0x7F, v1;
	v0 =	vadd.s32 v0, v2  }
0x27: {  	v0 =	vor.u32 v1, v0;
	_ =	sdelay $0x4  }
0x28: {  	v0 =	vld.idx.msk [tilespmem:v0+s6+$0x0], $0xffff;
	_ =	sdelay $0x4  }
0x29: {  	[tilespmem:s29+$0xFFFFFFC0] =	vst v0  }
0x2a: {  	v0 =	vld [tilespmem:s26+$0xFFFFFFD0]  }
0x2b: {  	v50 =	vld [tilespmem:s28+$0xFFFFFFD0];
	_ =	sdelay $0x4  }
0x2c: {  	v51 =	vand.u32 $0xFFFFFF80, v50;
	v0 =	vshll.u32 v0, $0x7  }
0x2d: {  	v1 =	vand.u32 $0x7F, v50;
	v0 =	vadd.s32 v0, v51  }
0x2e: {  	v0 =	vor.u32 v1, v0;
	_ =	sdelay $0x4  }
0x2f: {  	v0 =	vld.idx.msk [tilespmem:v0+s6+$0x0], $0xffff;
	_ =	sdelay $0x4  }
0x30: {  	[tilespmem:s29+$0xFFFFFFD0] =	vst v0  }
0x31: {  	v0 =	vld [tilespmem:s26+$0xFFFFFFE0]  }
0x32: {  	v52 =	vld [tilespmem:s28+$0xFFFFFFE0];
	_ =	sdelay $0x4  }
0x33: {  	v53 =	vand.u32 $0xFFFFFF80, v52;
	v0 =	vshll.u32 v0, $0x7  }
0x34: {  	v1 =	vand.u32 $0x7F, v52;
	v0 =	vadd.s32 v0, v53  }
0x35: {  	v0 =	vor.u32 v1, v0;
	_ =	sdelay $0x4  }
0x36: {  	v0 =	vld.idx.msk [tilespmem:v0+s6+$0x0], $0xffff;
	_ =	sdelay $0x4  }
0x37: {  	[tilespmem:s29+$0xFFFFFFE0] =	vst v0  }
0x38: {  	v0 =	vld [tilespmem:s26+$0xFFFFFFF0]  }
0x39: {  	v54 =	vld [tilespmem:s28+$0xFFFFFFF0];
	_ =	sdelay $0x4  }
0x3a: {  	v55 =	vand.u32 $0xFFFFFF80, v54;
	v0 =	vshll.u32 v0, $0x7  }
0x3b: {  	v1 =	vand.u32 $0x7F, v54;
	v0 =	vadd.s32 v0, v55  }
0x3c: {  	v0 =	vor.u32 v1, v0;
	_ =	sdelay $0x4  }
0x3d: {  	v0 =	vld.idx.msk [tilespmem:v0+s6+$0x0], $0xffff;
	_ =	sdelay $0x4  }
0x3e: {  	[tilespmem:s29+$0xFFFFFFF0] =	vst v0  }
0x3f: {  	v0 =	vld [tilespmem:s26+$0x0]  }
0x40: {  	v56 =	vld [tilespmem:s28+$0x0];
	_ =	sdelay $0x4  }
0x41: {  	v57 =	vand.u32 $0xFFFFFF80, v56;
	v0 =	vshll.u32 v0, $0x7  }
0x42: {  	v1 =	vand.u32 $0x7F, v56;
	v0 =	vadd.s32 v0, v57  }
0x43: {  	v0 =	vor.u32 v1, v0;
	_ =	sdelay $0x4  }
0x44: {  	v0 =	vld.idx.msk [tilespmem:v0+s6+$0x0], $0xffff;
	_ =	sdelay $0x4  }
0x45: {  	[tilespmem:s29+$0x0] =	vst v0  }
0x46: {  	v0 =	vld [tilespmem:s26+$0x10]  }
0x47: {  	v58 =	vld [tilespmem:s28+$0x10];
	_ =	sdelay $0x4  }
0x48: {  	v59 =	vand.u32 $0xFFFFFF80, v58;
	v0 =	vshll.u32 v0, $0x7  }
0x49: {  	v1 =	vand.u32 $0x7F, v58;
	v0 =	vadd.s32 v0, v59  }
0x4a: {  	v0 =	vor.u32 v1, v0;
	_ =	sdelay $0x4  }
0x4b: {  	v0 =	vld.idx.msk [tilespmem:v0+s6+$0x0], $0xffff;
	_ =	sdelay $0x4  }
0x4c: {  	[tilespmem:s29+$0x10] =	vst v0  }
0x4d: {  	v0 =	vld [tilespmem:s26+$0x20]  }
0x4e: {  	v60 =	vld [tilespmem:s28+$0x20];
	_ =	sdelay $0x4  }
0x4f: {  	v61 =	vand.u32 $0xFFFFFF80, v60;
	v0 =	vshll.u32 v0, $0x7  }
0x50: {  	v1 =	vand.u32 $0x7F, v60;
	v0 =	vadd.s32 v0, v61  }
0x51: {  	v0 =	vor.u32 v1, v0;
	_ =	sdelay $0x4  }
0x52: {  	v0 =	vld.idx.msk [tilespmem:v0+s6+$0x0], $0xffff;
	_ =	sdelay $0x4  }
0x53: {  	[tilespmem:s29+$0x20] =	vst v0  }
0x54: {  	v0 =	vld [tilespmem:s26+$0x30]  }
0x55: {  	v62 =	vld [tilespmem:s28+$0x30];
	_ =	sdelay $0x4  }
0x56: {  	v63 =	vand.u32 $0xFFFFFF80, v62;
	v0 =	vshll.u32 v0, $0x7  }
0x57: {  	v1 =	vand.u32 $0x7F, v62;
	v0 =	vadd.s32 v0, v63  }
0x58: {  	v0 =	vor.u32 v1, v0;
	_ =	sdelay $0x3  }
0x59: {  	s25 =	sadd.s32 $0x8, s25  }
0x5a: {  	p1 =	slt.u32 s25, $0x1F0;
	v0 =	vld.idx.msk [tilespmem:v0+s6+$0x0], $0xffff  }
.Ltmp0:
0x5b: {  	_ = 	snop;
	(pc) =	sbr.rel @p1 .LBB2_3-.Ltmp0, $2  }
0x5c: {  	_ =	sdelay $0x2  }
0x5d: {  	s26 =	sadd.s32 $0x80, s26;
	s28 =	sadd.s32 $0x80, s28;
	[tilespmem:s29+$0x30] =	vst v0;
	s29 =	sadd.s32 $0x80, s29  }
0x5e: {  	v0 =	vld [tilespmem:$0xDF80]  }
0x5f: {  	v1 =	vld [tilespmem:$0xFF80];
	_ =	sdelay $0x4  }
0x60: {  	v3 =	vld [tilespmem:$0xDF90];
	v2 =	vand.u32 $0xFFFFFF80, v1;
	v0 =	vshll.u32 v0, $0x7  }
0x61: {  	v56 =	vld [tilespmem:$0xFF90];
	v1 =	vand.u32 $0x7F, v1;
	v0 =	vadd.s32 v0, v2  }
0x62: {  	v0 =	vor.u32 v1, v0;
	_ =	sdelay $0x2  }
0x63: {  	v58 =	vld [tilespmem:$0xDFA0]  }
0x64: {  	v59 =	vld [tilespmem:$0xFFA0];
	v57 =	vand.u32 $0xFFFFFF80, v56;
	v3 =	vshll.u32 v3, $0x7  }
0x65: {  	v2 =	vand.u32 $0x7F, v56;
	v1 =	vadd.s32 v3, v57;
	v0 =	vld.idx.msk [tilespmem:v0+s6+$0x0], $0xffff  }
0x66: {  	v1 =	vor.u32 v2, v1;
	_ =	sdelay $0x2  }
0x67: {  	v4 =	vld [tilespmem:$0xDFB0]  }
0x68: {  	v61 =	vld [tilespmem:$0xFFB0];
	v60 =	vand.u32 $0xFFFFFF80, v59;
	v2 =	vshll.u32 v58, $0x7;
	[tilespmem:$0x9F80] =	vst v0  }
0x69: {  	v3 =	vand.u32 $0x7F, v59;
	v0 =	vld.idx.msk [tilespmem:v1+s6+$0x0], $0xffff;
	v1 =	vadd.s32 v2, v60  }
0x6a: {  	v1 =	vor.u32 v3, v1;
	_ =	sdelay $0x3  }
0x6b: {  	v62 =	vand.u32 $0xFFFFFF80, v61;
	v63 =	vshll.u32 v4, $0x7;
	[tilespmem:$0x9F90] =	vst v0  }
0x6c: {  	v2 =	vand.u32 $0x7F, v61;
	v0 =	vadd.s32 v63, v62;
	v1 =	vld.idx.msk [tilespmem:v1+s6+$0x0], $0xffff  }
0x6d: {  	v0 =	vor.u32 v2, v0;
	_ =	sdelay $0x3  }
0x6e: {  	[tilespmem:$0x9FA0] =	vst v1  }
0x6f: {  	v0 =	vld.idx.msk [tilespmem:v0+s6+$0x0], $0xffff;
	_ =	sdelay $0x1  }
0x70: {  	s25 =	sshll.u32 s24, $0x4;
	s26 =	sshll.u32 s24, $0xA;
	s24 =	sadd.s32 $0x2, s24  }
0x71: {  	s28 =	sand.u32 $0x60, s25;
	p1 =	sge.u32 s24, s9  }
0x72: {  	s25 =	sand.u32 $0xFFFE000, s26;
	s31 =	sadd.s32 s5, s28;
	s24 =	sshll.u32 @!p1 s24, $0xB  }
0x73: {  	s26 =	sadd.s32 s25, s31;
	s24 =	sand.u32 @!p1 $0x1FFFF000, s24;
	[tilespmem:$0x9FB0] =	vst v0  }
0x74: {  	[hbm4b:s26+s16] =	stream.strided.scatter [tilespmem:s18], [sflag:$0x2], $0x2000, s17, s16, $0x38;
	[tilespmem:$0x10000] =	vst v63  }
0x75: {  	s24 =	sadd.s32 @!p1 s1, s24;
	s26 =	simm.s32 @!p1 $0x0  }
0x76: {  	[tilespmem:s26], [sflag:$0x1] =	stream.linear.gather @!p1 [hbm4b:s24+s26], $0x4000, $0x38;
	[tilespmem:$0x10000] =	vst v63  }
0x77: {  	_ =	swait.ge [sflag:s15], $0x4000  }
0x78: {  	[sflag:s15] =	ssyncset.done $0x0  }
0x79: {  	s24 =	simm.s32 @!p0 $0x2;
	[sflag:s15] =	ssyncadd.s32 $0xFFFFC000  }
0x7a: {  	_ =	swait.ge @!p0 [sflag:s24], $0x2000  }
0x7b: {  	s29 =	simm.s32 $0xA040;
	s28 =	simm.s32 $0xE040;
	[sflag:s24] =	ssyncset.done @!p0 $0x0  }
0x7c: {  	s26 =	simm.s32 $0xC040;
	[sflag:s24] =	ssyncadd.s32 @!p0 $0xFFFFE000;
	s24 =	simm.s32 $0xFFFFFFF8  }
.LBB2_5:
0x7d: {  	v0 =	vld [tilespmem:s26+$0xFFFFFFC0]  }
0x7e: {  	v1 =	vld [tilespmem:s28+$0xFFFFFFC0];
	_ =	sdelay $0x4  }
0x7f: {  	v2 =	vand.u32 $0xFFFFFF80, v1;
	v0 =	vshll.u32 v0, $0x7  }
0x80: {  	v1 =	vand.u32 $0x7F, v1;
	v0 =	vadd.s32 v0, v2  }
0x81: {  	v0 =	vor.u32 v1, v0;
	_ =	sdelay $0x4  }
0x82: {  	v0 =	vld.idx.msk [tilespmem:v0+s14+$0x0], $0xffff;
	_ =	sdelay $0x4  }
0x83: {  	[tilespmem:s29+$0xFFFFFFC0] =	vst v0  }
0x84: {  	v0 =	vld [tilespmem:s26+$0xFFFFFFD0]  }
0x85: {  	v50 =	vld [tilespmem:s28+$0xFFFFFFD0];
	_ =	sdelay $0x4  }
0x86: {  	v51 =	vand.u32 $0xFFFFFF80, v50;
	v0 =	vshll.u32 v0, $0x7  }
0x87: {  	v1 =	vand.u32 $0x7F, v50;
	v0 =	vadd.s32 v0, v51  }
0x88: {  	v0 =	vor.u32 v1, v0;
	_ =	sdelay $0x4  }
0x89: {  	v0 =	vld.idx.msk [tilespmem:v0+s14+$0x0], $0xffff;
	_ =	sdelay $0x4  }
0x8a: {  	[tilespmem:s29+$0xFFFFFFD0] =	vst v0  }
0x8b: {  	v0 =	vld [tilespmem:s26+$0xFFFFFFE0]  }
0x8c: {  	v52 =	vld [tilespmem:s28+$0xFFFFFFE0];
	_ =	sdelay $0x4  }
0x8d: {  	v53 =	vand.u32 $0xFFFFFF80, v52;
	v0 =	vshll.u32 v0, $0x7  }
0x8e: {  	v1 =	vand.u32 $0x7F, v52;
	v0 =	vadd.s32 v0, v53  }
0x8f: {  	v0 =	vor.u32 v1, v0;
	_ =	sdelay $0x4  }
0x90: {  	v0 =	vld.idx.msk [tilespmem:v0+s14+$0x0], $0xffff;
	_ =	sdelay $0x4  }
0x91: {  	[tilespmem:s29+$0xFFFFFFE0] =	vst v0  }
0x92: {  	v0 =	vld [tilespmem:s26+$0xFFFFFFF0]  }
0x93: {  	v54 =	vld [tilespmem:s28+$0xFFFFFFF0];
	_ =	sdelay $0x4  }
0x94: {  	v55 =	vand.u32 $0xFFFFFF80, v54;
	v0 =	vshll.u32 v0, $0x7  }
0x95: {  	v1 =	vand.u32 $0x7F, v54;
	v0 =	vadd.s32 v0, v55  }
0x96: {  	v0 =	vor.u32 v1, v0;
	_ =	sdelay $0x4  }
0x97: {  	v0 =	vld.idx.msk [tilespmem:v0+s14+$0x0], $0xffff;
	_ =	sdelay $0x4  }
0x98: {  	[tilespmem:s29+$0xFFFFFFF0] =	vst v0  }
0x99: {  	v0 =	vld [tilespmem:s26+$0x0]  }
0x9a: {  	v56 =	vld [tilespmem:s28+$0x0];
	_ =	sdelay $0x4  }
0x9b: {  	v57 =	vand.u32 $0xFFFFFF80, v56;
	v0 =	vshll.u32 v0, $0x7  }
0x9c: {  	v1 =	vand.u32 $0x7F, v56;
	v0 =	vadd.s32 v0, v57  }
0x9d: {  	v0 =	vor.u32 v1, v0;
	_ =	sdelay $0x4  }
0x9e: {  	v0 =	vld.idx.msk [tilespmem:v0+s14+$0x0], $0xffff;
	_ =	sdelay $0x4  }
0x9f: {  	[tilespmem:s29+$0x0] =	vst v0  }
0xa0: {  	v0 =	vld [tilespmem:s26+$0x10]  }
0xa1: {  	v58 =	vld [tilespmem:s28+$0x10];
	_ =	sdelay $0x4  }
0xa2: {  	v59 =	vand.u32 $0xFFFFFF80, v58;
	v0 =	vshll.u32 v0, $0x7  }
0xa3: {  	v1 =	vand.u32 $0x7F, v58;
	v0 =	vadd.s32 v0, v59  }
0xa4: {  	v0 =	vor.u32 v1, v0;
	_ =	sdelay $0x4  }
0xa5: {  	v0 =	vld.idx.msk [tilespmem:v0+s14+$0x0], $0xffff;
	_ =	sdelay $0x4  }
0xa6: {  	[tilespmem:s29+$0x10] =	vst v0  }
0xa7: {  	v0 =	vld [tilespmem:s26+$0x20]  }
0xa8: {  	v60 =	vld [tilespmem:s28+$0x20];
	_ =	sdelay $0x4  }
0xa9: {  	v61 =	vand.u32 $0xFFFFFF80, v60;
	v0 =	vshll.u32 v0, $0x7  }
0xaa: {  	v1 =	vand.u32 $0x7F, v60;
	v0 =	vadd.s32 v0, v61  }
0xab: {  	v0 =	vor.u32 v1, v0;
	_ =	sdelay $0x4  }
0xac: {  	v0 =	vld.idx.msk [tilespmem:v0+s14+$0x0], $0xffff;
	_ =	sdelay $0x4  }
0xad: {  	[tilespmem:s29+$0x20] =	vst v0  }
0xae: {  	v0 =	vld [tilespmem:s26+$0x30]  }
0xaf: {  	v62 =	vld [tilespmem:s28+$0x30];
	_ =	sdelay $0x4  }
0xb0: {  	v63 =	vand.u32 $0xFFFFFF80, v62;
	v0 =	vshll.u32 v0, $0x7  }
0xb1: {  	v1 =	vand.u32 $0x7F, v62;
	v0 =	vadd.s32 v0, v63  }
0xb2: {  	v0 =	vor.u32 v1, v0;
	_ =	sdelay $0x3  }
0xb3: {  	s24 =	sadd.s32 $0x8, s24  }
0xb4: {  	p0 =	slt.u32 s24, $0x1F0;
	v0 =	vld.idx.msk [tilespmem:v0+s14+$0x0], $0xffff  }
.Ltmp1:
0xb5: {  	_ = 	snop;
	(pc) =	sbr.rel @p0 .LBB2_5-.Ltmp1, $2  }
0xb6: {  	_ =	sdelay $0x2  }
0xb7: {  	s26 =	sadd.s32 $0x80, s26;
	s28 =	sadd.s32 $0x80, s28;
	[tilespmem:s29+$0x30] =	vst v0;
	s29 =	sadd.s32 $0x80, s29  }
0xb8: {  	v0 =	vld [tilespmem:$0xDF80]  }
0xb9: {  	v1 =	vld [tilespmem:$0xFF80];
	_ =	sdelay $0x4  }
0xba: {  	v3 =	vld [tilespmem:$0xDF90];
	v2 =	vand.u32 $0xFFFFFF80, v1;
	v0 =	vshll.u32 v0, $0x7  }
0xbb: {  	v56 =	vld [tilespmem:$0xFF90];
	v1 =	vand.u32 $0x7F, v1;
	v0 =	vadd.s32 v0, v2  }
0xbc: {  	v0 =	vor.u32 v1, v0;
	_ =	sdelay $0x2  }
0xbd: {  	v58 =	vld [tilespmem:$0xDFA0]  }
0xbe: {  	v59 =	vld [tilespmem:$0xFFA0];
	v57 =	vand.u32 $0xFFFFFF80, v56;
	v3 =	vshll.u32 v3, $0x7  }
0xbf: {  	v2 =	vand.u32 $0x7F, v56;
	v1 =	vadd.s32 v3, v57;
	v0 =	vld.idx.msk [tilespmem:v0+s14+$0x0], $0xffff  }
0xc0: {  	v1 =	vor.u32 v2, v1;
	_ =	sdelay $0x2  }
0xc1: {  	v4 =	vld [tilespmem:$0xDFB0]  }
0xc2: {  	v61 =	vld [tilespmem:$0xFFB0];
	v60 =	vand.u32 $0xFFFFFF80, v59;
	v2 =	vshll.u32 v58, $0x7;
	[tilespmem:$0xBF80] =	vst v0  }
0xc3: {  	v3 =	vand.u32 $0x7F, v59;
	v0 =	vld.idx.msk [tilespmem:v1+s14+$0x0], $0xffff;
	v1 =	vadd.s32 v2, v60  }
0xc4: {  	v1 =	vor.u32 v3, v1;
	_ =	sdelay $0x3  }
0xc5: {  	v62 =	vand.u32 $0xFFFFFF80, v61;
	v63 =	vshll.u32 v4, $0x7;
	[tilespmem:$0xBF90] =	vst v0  }
0xc6: {  	v2 =	vand.u32 $0x7F, v61;
	v0 =	vadd.s32 v63, v62;
	v1 =	vld.idx.msk [tilespmem:v1+s14+$0x0], $0xffff  }
0xc7: {  	v0 =	vor.u32 v2, v0;
	_ =	sdelay $0x3  }
0xc8: {  	[tilespmem:$0xBFA0] =	vst v1  }
0xc9: {  	s22 =	sadd.s32 $0x1, s22;
	v0 =	vld.idx.msk [tilespmem:v0+s14+$0x0], $0xffff  }
0xca: {  	p0 =	sne.s32 s22, $0x9  }
.Ltmp2:
0xcb: {  	_ = 	snop;
	(pc) =	sbr.rel @p0 .LBB2_2-.Ltmp2, $4  }
0xcc: {  	s23 =	sshll.u32 s23, $0x4  }
0xcd: {  	s24 =	sadd.s32 s5, s25;
	s23 =	sand.u32 $0x70, s23  }
0xce: {  	s23 =	sadd.s32 s23, s24;
	[tilespmem:$0xBFB0] =	vst v0  }
0xcf: {  	[hbm4b:s23+s16] =	stream.strided.scatter [tilespmem:s19], [sflag:$0x2], $0x2000, s17, s16, $0x38;
	[tilespmem:$0x10000] =	vst v63  }
0xd0: {  	s21 =	sadd.s32 $0x1, s21  }
0xd1: {  	_ =	swait.ge [sflag:s20], $0x2000;
	p0 =	sne.s32 s21, s10  }
.Ltmp3:
0xd2: {  	[sflag:s20] =	ssyncset.done $0x0;
	(pc) =	sbr.rel @p0 .LBB2_1-.Ltmp3, $4  }
0xd3: {  	[sflag:s20] =	ssyncadd.s32 $0xFFFFE000  }
0xd4: {  	_ =	swait.ge [sflag:s20], $0x2000  }
0xd5: {  	[sflag:s20] =	ssyncset.done $0x0  }
0xd6: {  	[sflag:s20] =	ssyncadd.s32 $0xFFFFE000  }
0xd7: {  	_ =	sfence.sel $0x180000  }
0xd8: {  	[bflag:$0x0] =	sbarrier.arrive $0xFFFF  }
0xd9: {  	p0 =	sne.s32 s0, $0x0;
	_ =	strace $0x90000047  }
0xda: {  	s0 =	sadd.s32 @!p0 $0x100000, s3;
	[bflag:$0x2] =	sbarrier.arrive $0xFFFF  }
0xdb: {  	[sflag:s0] =	ssyncadd.tile.s32 @!p0 $0x1;
	_ =	shalt  }
.Lfunc_end2:
_tile_overlayer_lowered:
.L_overlay_start_2:
0xdc: {  	(tag) =	ssettag $0x2  }
0xdd: {  	s0 =	rddreg [dreg:$0x0];
	s2 =	stileid.u32  }
0xde: {  	s1 =	rddreg [dreg:$0x1];
	p0 =	sne.s32 s2, $0x0  }
0xdf: {  	s3 =	rddreg [dreg:$0x2];
	[bflag:$0x3] =	sbarrier.arrive $0xFFFF;
	s2 =	simm.s32 @!p0 $0x1C03  }
0xe0: {  	[timem:s3], [sflag:s2] =	dma.local @!p0 [hbm:s0], s1  }
0xe1: {  	s0 =	simm.s32 @!p0 $0x3  }
0xe2: {  	_ =	swait.ge @!p0 [sflag:s0], s1  }
0xe3: {  	s1 =	ssub.s32 @!p0 $0x0, s1;
	[sflag:s0] =	ssyncset.done @!p0 $0x0  }
0xe4: {  	[sflag:s0] =	ssyncadd.s32 @!p0 s1  }
0xe5: {  	[bflag:$0x3] =	sbarrier.arrive $0xFFFF  }
0xe6: {  	_ =	shalt  }

// kernel: sparse-core-data-format-call.cloned.1.call-start
scs
called_computation_lowered:
.L_overlay_start_0:
0x0: {  	s2 =	sld [smem:$0x3FD9]  }
0x1: {  	s3 =	sld [smem:$0x3FFE];
	_ =	sdelay $0x1  }
0x2: {  	s1 =	srdreg.scid  }
0x3: {  	s0 =	sand.u32 $0x1, s1  }
0x4: {  	s18 =	sshll.u32 s0, $0xA;
	s2 =	sadd.s32 s3, s2  }
0x5: {  	s2 =	sadd.s32 s2, s18  }
0x6: {  	[smem:$0x3FC5] =	sst s2  }
0x7: {  	_ = 	snop  }
0x8: {  	s2 =	sld [smem:$0x3FD0];
	(tm) =	ssettm $0x1  }
0x9: {  	s19 =	sld [smem:$0x3FFB];
	_ =	sdelay $0x3  }
0xa: {  	_ =	strace s19  }
0xb: {  	s3 =	sld [smem:$0x3FFC];
	_ =	sdelay $0x3  }
0xc: {  	_ =	strace s3  }
0xd: {  	s3 =	sld [smem:$0x3FFD];
	_ =	sdelay $0x3  }
0xe: {  	_ =	strace s3  }
0xf: {  	_ =	strace $0x8FFFFFFF  }
0x10: {  	s20 =	sld [smem:$0x3FDB];
	_ =	sdelay $0x1  }
0x11: {  	s4 =	simm.s32 $_scs_section_size  }
0x12: {  	s5 =	simm.s32 $_size__tile_overlayer_lowered;
	s6 =	simm.s32 $_tile_overlayer_lowered  }
0x13: {  	s23 =	simm.s32 $0x1BFF;
	s22 =	sshll.u32 s6, $0x1;
	s3 =	sadd.s32 s4, s20  }
0x14: {  	s7 =	simm.s32 $0x0;
	s21 =	sshll.u32 s5, $0x1;
	s5 =	sadd.s32 s22, s3  }
0x15: {  	[timem:s7], [sflag:s23] =	dma.local [hbm:s5], s21  }
0x16: {  	_ =	swait.ge [sflag:s23], s21  }
0x17: {  	s4 =	ssub.s32 $0x0, s21;
	[sflag:s23] =	ssyncset.done $0x0  }
0x18: {  	[sflag:s23] =	ssyncadd.s32 s4;
	_ =	sdelay $0x1  }
0x19: {  	s24 =	simm.s32 $0x1B8B  }
0x1a: {  	_ =	swait.ge [sflag:s24], $0x1  }
0x1b: {  	[sflag:s24] =	ssyncset.done $0x0  }
0x1c: {  	s26 =	simm.s32 $0x1B8E;
	s25 =	sld [smem:$0x3FFE];
	[sflag:s24] =	ssyncadd.s32 $0xFFFFFFFF  }
0x1d: {  	s27 =	simm.s32 $execute0_lowered;
	[smem:$0x3FD2] =	sst s26  }
0x1e: {  	s5 =	sshll.u32 s27, $0x1;
	_ =	strace $0x80000049;
	[dreg:$0x1] =	wrdreg $0xFFFFFFFF  }
0x1f: {  	s28 =	simm.s32 $_size_execute0_lowered;
	s3 =	sadd.s32 s3, s5;
	[dreg:$0x0] =	wrdreg $0x0  }
0x20: {  	s5 =	sshll.u32 s28, $0x1;
	[dreg:$0x2] =	wrdreg s3  }
0x21: {  	[dreg:$0x3] =	wrdreg s5  }
0x22: {  	[dreg:$0x4] =	wrdreg $0xC0  }
0x23: {  	_ =	task [dreg:s7], $0x5FFFF  }
0x24: {  	[dreg:$0x1] =	wrdreg $0xFFFFFFFF  }
0x25: {  	[dreg:$0x0] =	wrdreg $0x60  }
0x26: {  	[dreg:$0x2] =	wrdreg s25  }
0x27: {  	[dreg:$0x3] =	wrdreg s2  }
0x28: {  	[dreg:$0x4] =	wrdreg $0x9  }
0x29: {  	_ =	task.clear_ibuf [dreg:s7], $0x5FFFF;
	_ =	strace $0x90000049  }
0x2a: {  	s29 =	simm.s32 $0x9;
	_ =	strace $0x8000004B  }
0x2b: {  	_ =	swait.ge [sflag:s29], $0x1  }
0x2c: {  	[sflag:s29] =	ssyncadd.s32 $0xFFFFFFFF  }
0x2d: {  	_ =	strace $0x9000004B  }
0x2e: {  	_ =	sfence  }
0x2f: {  	s30 =	sld [smem:$0x0];
	_ =	sdelay $0x2  }
0x30: {  	s31 =	sshll.u32 s1, $0xD;
	s1 =	sshrl.u32 s1, $0x2  }
0x31: {  	s3 =	sand.u32 $0x4000, s31;
	s1 =	sadd.s32 s1, s30  }
0x32: {  	s0 =	sor.u32 s3, s0;
	s1 =	sshll.u32 s1, $0x11  }
0x33: {  	s0 =	sor.u32 s1, s0  }
0x34: {  	s0 =	sadd.s32 $0x8F2B, s0  }
0x35: {  	[sflag:s0] =	ssyncadd.remote.s32 $0x1  }
0x36: {  	_ =	sfence.sel $0xFFFF  }
0x37: {  	[dreg:$0x0] =	wrdreg $0xFFFFFFFF;
	(pc) =	sbr.abs _section_cstart, $3  }
0x38: {  	[dreg:$0x1] =	wrdreg $0xFFFFFFFF  }
0x39: {  	_ =	task.clear_ibuf [dreg:s7], $0x2FFFF;
	_ =	strace $0x9FFFFFFF  }
0x3a: {  	(tm) =	ssettm $0x7FFFFFFF  }
0x3b: {  	_ =	shalt  }
tec
execute0_lowered:
.L_overlay_start_1:
0x0: {  	(tag) =	ssettag $0x1  }
0x1: {  	s4 =	rddreg [dreg:$0x0]  }
0x2: {  	s0 =	stileid.u32;
	s2 =	rddreg [dreg:$0x1]  }
0x3: {  	s1 =	rddreg [dreg:$0x2];
	_ =	strace $0x8000004A;
	s7 =	srdreg.scid  }
0x4: {  	s8 =	simm.s32 $0x1;
	s31 =	simm.s32 $0x2;
	s16 =	simm.s32 $0x0  }
0x5: {  	s9 =	simm.s32 $0x4000;
	s15 =	simm.s32 $0x0;
	s3 =	sshll.u32 s0, $0x7  }
0x6: {  	s10 =	simm.s32 $0x0;
	s11 =	simm.s32 $0x0;
	s5 =	ssub.s32 $0x800, s3  }
0x7: {  	s14 =	simm.s32 $0x0;
	s4 =	sadd.s32 $0x800, s4;
	s6 =	sand.u32 $0x780, s5  }
.Ltmp0:
0x8: {  	s29 =	sshll.u32 s7, $0x7;
	p0 =	sne.s32 s6, $0x0;
	(pc) =	sbr.rel .LBB1_1-.Ltmp0, $4  }
0x9: {  	s13 =	smov.u32 s3;
	s30 =	sshrl.u32 s5, $0xB;
	s8 =	simm.s32 @!p0 $0x0  }
0xa: {  	s5 =	sand.u32 $0x80, s29;
	s6 =	simm.s32 $0x1;
	s7 =	sadd.s32 s8, s30  }
0xb: {  	s12 =	smov.u32 s5;
	[sflag:s6] =	ssyncpa.u1 $0x0;
	s7 =	sshll.u32 s7, $0x5  }
0xc: {  	p0 =	por $0x0, $0x0;
	[sflag:s31] =	ssyncpa.u1 $0x0;
	s8 =	sor.u32 $0x1, s7  }
.LBB1_4:
0xd: {  	s21 =	sshra.s32 s21, $0x2;
	s26 =	sshll.u32 s10, $0xB  }
0xe: {  	s22 =	sand.u32 $0x78, s11;
	s23 =	sshll.u32 s11, $0x3;
	s25 =	sshll.u32 s10, $0x7  }
0xf: {  	p1 =	sgt.s32 s10, $0x1F40;
	s29 =	sshra.s32 s10, $0x1F;
	s20 =	sadd.s32 s21, s20  }
0x10: {  	s21 =	sand.u32 $0xFFFFC000, s26;
	s24 =	sand.u32 $0xFFFFFC00, s23;
	s23 =	sand.u32 $0x400, s23  }
0x11: {  	v5 =	vld [tilespmem:s18+$0xFFFFFFD0];
	[tilespmem:s19+$0x2040 ss:$0x81] =	vst.msk $0xffff, v4;
	s27 =	sand.u32 $0x380, s25;
	s30 =	sand.u32 s29, s10;
	s25 =	smov.u32 s11  }
0x12: {  	v58 =	vld [tilespmem:s18+$0xFFFFFFE0];
	[tilespmem:s19+$0x2850 ss:$0x81] =	vst.msk $0xffff, v3;
	s26 =	sshra.s32 s11, $0x1F;
	s21 =	sadd.s32 s24, s21;
	s22 =	sor.u32 s22, s23  }
0x13: {  	v59 =	vld [tilespmem:s18+$0xFFFFFFF0];
	[tilespmem:s19+$0x3060 ss:$0x81] =	vst.msk $0xffff, v2;
	s23 =	smov.u32 s10;
	s31 =	sand.u32 s26, s11;
	s22 =	sor.u32 s27, s22  }
0x14: {  	v60 =	vld [tilespmem:s18+$0x0];
	[tilespmem:s19+$0x0 ss:$0x81] =	vst.msk $0xffff, v1;
	s21 =	sshrl.u32 s21, $0xB;
	s23 =	simm.s32 @!p1 $0x1F40;
	p1 =	sgt.s32 s11, $0x780  }
0x15: {  	v61 =	vld [tilespmem:s18+$0x10];
	[tilespmem:s20+$0x3870 ss:$0x81] =	vst.msk $0xffff, v0;
	s28 =	smulhi.u32 $0x102041, s21;
	s19 =	ssub.s32 s23, s30;
	s25 =	simm.s32 @!p1 $0x780  }
0x16: {  	v62 =	vld [tilespmem:s18+$0x20];
	[tilespmem:s20+$0x810 ss:$0x81] =	vst.msk $0xffff, v5;
	s23 =	ssub.s32 s25, s31;
	s26 =	sadd.s32 $0xFFFFE0C0, s19;
	s19 =	ssub.s32 $0x1FC0, s19  }
0x17: {  	v63 =	vld [tilespmem:s18+$0xFFFFFFC0];
	[tilespmem:s20+$0x1020 ss:$0x81] =	vst.msk $0xffff, v58;
	s24 =	sshrl.u32 s28, $0x1;
	p1 =	sgt.s32 s26, $0x7F;
	s28 =	sadd.s32 $0xFFFFF880, s23  }
0x18: {  	[tilespmem:s20+$0x1830 ss:$0x81] =	vst.msk $0xffff, v59;
	s23 =	ssub.s32 $0x800, s23;
	s27 =	smul.u32 $0x1FC0, s24;
	p2 =	sgt.s32 s28, $0x7F  }
0x19: {  	s29 =	sshrl.u32 s22, $0x3;
	[tilespmem:s20+$0x2040 ss:$0x81] =	vst.msk $0xffff, v60;
	s19 =	simm.s32 @p1 $0x0;
	s23 =	simm.s32 @p2 $0x0  }
0x1a: {  	s30 =	sand.u32 $0x7, s11;
	[tilespmem:s20+$0x2850 ss:$0x81] =	vst.msk $0xffff, v61;
	s18 =	ssub.s32 s21, s27;
	s19 =	smul.u32 s23, s19  }
0x1b: {  	[tilespmem:s20+$0x3060 ss:$0x81] =	vst.msk $0xffff, v62;
	s22 =	sshll.u32 s30, $0x12;
	s21 =	sadd.s32 s2, s29;
	s18 =	sshll.u32 s18, $0x8  }
0x1c: {  	[tilespmem:s20+$0x0 ss:$0x81] =	vst.msk $0xffff, v63;
	s31 =	sor.u32 $0x400, s22;
	s19 =	sand.u32 $0x3FFFFFFF, s19;
	s18 =	sadd.s32 s18, s21  }
0x1d: {  	[hbm4b:s18+s31] =	stream.strided.scatter [tilespmem:s17], [sflag:$0x2], s19, s9, s31, $0x20;
	[tilespmem:$0x10100] =	vst v63  }
.LBB1_5:
0x1e: {  	p1 =	slt.u32 s14, $0x2  }
0x1f: {  	s18 =	smov.u32 s16;
	p2 =	sgt.s32 @!p1 s16, $0x1F40;
	s17 =	sshra.s32 @!p1 s16, $0x1F  }
0x20: {  	p3 =	sgt.s32 @!p1 s15, $0x780;
	s19 =	sshra.s32 @!p1 s15, $0x1F;
	p2 =	por !p2, p1  }
0x21: {  	s16 =	sand.u32 @!p1 s17, s16;
	p3 =	por !p3, p1;
	s17 =	smov.u32 s15  }
0x22: {  	s15 =	sand.u32 @!p1 s19, s15;
	s18 =	simm.s32 @p2 $0x1F40;
	s17 =	simm.s32 @p3 $0x780  }
0x23: {  	s16 =	ssub.s32 @!p1 s18, s16;
	s15 =	ssub.s32 @!p1 s17, s15  }
0x24: {  	s19 =	smov.u32 s13;
	s17 =	sadd.s32 @!p1 $0xFFFFE0C0, s16;
	s18 =	sadd.s32 @!p1 $0xFFFFF880, s15  }
0x25: {  	s16 =	ssub.s32 @!p1 $0x1FC0, s16;
	p2 =	sgt.s32 @!p1 s17, $0x7F;
	p3 =	sgt.s32 @!p1 s18, $0x7F  }
0x26: {  	s15 =	ssub.s32 @!p1 $0x800, s15;
	p2 =	por !p2, p1;
	p3 =	por !p3, p1  }
0x27: {  	s17 =	sadd.s32 $0x100, s12;
	s16 =	simm.s32 @!p2 $0x0;
	s15 =	simm.s32 @!p3 $0x0  }
0x28: {  	p2 =	sgt.s32 s17, $0x1FBF;
	s15 =	smul.u32 @!p1 s15, s16;
	s16 =	sadd.s32 $0x800, s13  }
0x29: {  	s19 =	smov.u32 @p2 s16  }
0x2a: {  	s17 =	smov.u32 @p2 s5;
	p2 =	sgt.s32 s19, $0x7FF  }
0x2b: {  	s19 =	smov.u32 @p2 s3;
	p2 =	sne.s32 s14, s8  }
.Ltmp1:
0x2c: {  	p0 =	por !p0, !p0;
	s18 =	simm.s32 @!p1 $0x2;
	(pc) =	sbr.rel @!p2 .LBB1_6-.Ltmp1, $4  }
0x2d: {  	s16 =	smov.u32 s10;
	s10 =	smov.u32 s12;
	s15 =	sand.u32 @!p1 $0x3FFFFFFF, s15  }
0x2e: {  	s12 =	smov.u32 s17;
	_ =	swait.ge @!p1 [sflag:s18], s15;
	s20 =	ssub.s32 @!p1 $0x0, s15  }
0x2f: {  	s15 =	smov.u32 s11;
	s14 =	sadd.s32 $0x1, s14;
	[sflag:s18] =	ssyncset.done @!p1 $0x0  }
0x30: {  	s11 =	smov.u32 s13;
	s13 =	smov.u32 s19;
	[sflag:s18] =	ssyncadd.s32 @!p1 s20  }
.LBB1_1:
0x31: {  	p1 =	sge.u32 s14, s7;
	s31 =	sadd.s32 $0xFFFFFFFF, s14  }
0x32: {  	s17 =	sand.u32 @!p1 $0x78, s12;
	s18 =	sshll.u32 @!p1 s13, $0xD;
	s19 =	sshll.u32 @!p1 s13, $0x7  }
0x33: {  	s20 =	sshll.u32 @!p1 s12, $0x3;
	s18 =	sand.u32 @!p1 $0xFF0000, s18;
	s19 =	sand.u32 @!p1 $0x380, s19  }
0x34: {  	s18 =	sadd.s32 @!p1 s18, s20;
	s20 =	sand.u32 @!p1 $0x1C00, s20;
	s17 =	sor.u32 @!p1 s19, s17  }
0x35: {  	s19 =	sxor.u32 @!p1 $0xFFFFFFFF, s14;
	s18 =	sand.u32 @!p1 $0xFFE000, s18;
	s17 =	sor.u32 @!p1 s20, s17  }
0x36: {  	s19 =	sshll.u32 @!p1 s19, $0xE;
	s17 =	sor.u32 @!p1 s18, s17;
	s18 =	sand.u32 @!p1 $0x7, s12  }
0x37: {  	s20 =	simm.s32 @!p1 $0x10000;
	s17 =	sshrl.u32 @!p1 s17, $0x3;
	s18 =	sshll.u32 @!p1 s18, $0x12  }
0x38: {  	s19 =	sand.u32 @!p1 $0x4000, s19;
	s17 =	sadd.s32 @!p1 s4, s17;
	s18 =	sor.u32 @!p1 $0x400, s18  }
0x39: {  	[tilespmem:s19], [sflag:$0x1] =	stream.strided.gather @!p1 [hbm4b:s17+s18], $0x4000, s20, s18, $0x38;
	[tilespmem:$0x10100] =	vst v63  }
0x3a: {  	p1 =	sge.u32 s31, s7  }
.Ltmp2:
0x3b: {  	_ = 	snop;
	(pc) =	sbr.rel @p1 .LBB1_5-.Ltmp2, $1  }
0x3c: {  	_ =	sdelay $0x3  }
0x3d: {  	s17 =	simm.s32 $0x1  }
0x3e: {  	_ =	swait.ge [sflag:s6], $0x4000;
	s17 =	simm.s32 @!p0 $0x0  }
0x3f: {  	[sflag:s6] =	ssyncset.done $0x0;
	s18 =	sshll.u32 s17, $0xE  }
0x40: {  	[sflag:s6] =	ssyncadd.s32 $0xFFFFC000;
	s18 =	sor.u32 $0x40, s18  }
0x41: {  	s17 =	smul.u32 $0x10200, s17;
	v0 =	vld [tilespmem:s18+$0x30]  }
0x42: {  	v1 =	vld [tilespmem:s18+$0xFFFFFFD0]  }
0x43: {  	s17 =	sshrl.u32 s17, $0x2;
	v5 =	vld [tilespmem:s18+$0xFFFFFFE0]  }
0x44: {  	v6 =	vld [tilespmem:s18+$0xFFFFFFF0];
	s20 =	sor.u32 $0x8000, s17  }
0x45: {  	s31 =	sand.u32 $0x1, s14;
	v4 =	vld [tilespmem:s18+$0x0];
	s19 =	sadd.s32 $0x0, s20  }
0x46: {  	v3 =	vld [tilespmem:s18+$0x10];
	s17 =	smul.u32 $0x10200, s31;
	[tilespmem:s19+$0x3870 ss:$0x81] =	vst.msk $0xffff, v0  }
0x47: {  	v2 =	vld [tilespmem:s18+$0x20];
	[tilespmem:s19+$0x810 ss:$0x81] =	vst.msk $0xffff, v1  }
0x48: {  	s17 =	sshrl.u32 s17, $0x2;
	v1 =	vld [tilespmem:s18+$0xFFFFFFC0];
	[tilespmem:s19+$0x1020 ss:$0x81] =	vst.msk $0xffff, v5;
	s18 =	sadd.s32 $0x80, s18  }
0x49: {  	s21 =	simm.s32 $0x4;
	s22 =	simm.s32 $0x8;
	s17 =	sor.u32 $0x8000, s17;
	[tilespmem:s19+$0x1830 ss:$0x81] =	vst.msk $0xffff, v6;
	v0 =	vld [tilespmem:s18+$0x30]  }
.LBB1_3:
0x4a: {  	p1 =	sne.s32 s22, $0x1FC;
	v5 =	vld [tilespmem:s18+$0xFFFFFFD0];
	[tilespmem:s19+$0x2040 ss:$0x81] =	vst.msk $0xffff, v4  }
0x4b: {  	v6 =	vld [tilespmem:s18+$0xFFFFFFE0];
	[tilespmem:s19+$0x2850 ss:$0x81] =	vst.msk $0xffff, v3  }
0x4c: {  	s23 =	sshra.s32 s21, $0x2;
	s21 =	smov.u32 s22;
	v7 =	vld [tilespmem:s18+$0xFFFFFFF0];
	[tilespmem:s19+$0x3060 ss:$0x81] =	vst.msk $0xffff, v2  }
.Ltmp3:
0x4d: {  	v4 =	vld [tilespmem:s18+$0x0];
	[tilespmem:s19+$0x0 ss:$0x81] =	vst.msk $0xffff, v1;
	s19 =	sadd.s32 s23, s20;
	(pc) =	sbr.rel @p1 .LBB1_3-.Ltmp3, $4  }
0x4e: {  	v3 =	vld [tilespmem:s18+$0x10];
	[tilespmem:s19+$0x3870 ss:$0x81] =	vst.msk $0xffff, v0  }
0x4f: {  	[tilespmem:s19+$0x810 ss:$0x81] =	vst.msk $0xffff, v5;
	v2 =	vld [tilespmem:s18+$0x20]  }
0x50: {  	v1 =	vld [tilespmem:s18+$0xFFFFFFC0];
	[tilespmem:s19+$0x1020 ss:$0x81] =	vst.msk $0xffff, v6;
	s18 =	sadd.s32 $0x80, s18  }
0x51: {  	s22 =	sadd.s32 $0x4, s22;
	v0 =	vld [tilespmem:s18+$0x30];
	[tilespmem:s19+$0x1830 ss:$0x81] =	vst.msk $0xffff, v7  }
.Ltmp4:
0x52: {  	_ = 	snop;
	(pc) =	sbr.rel .LBB1_4-.Ltmp4, $1  }
0x53: {  	_ =	sdelay $0x3  }
.LBB1_6:
0x54: {  	_ =	sfence.sel $0x180000  }
0x55: {  	s2 =	simm.s32 $0x1;
	[bflag:$0x0] =	sbarrier.arrive $0xFFFF  }
0x56: {  	s31 =	simm.s32 $0x2;
	[sflag:s2] =	ssyncpa.u1 $0x1  }
0x57: {  	[sflag:s31] =	ssyncpa.u1 $0x1  }
0x58: {  	p0 =	sne.s32 s0, $0x0;
	_ =	strace $0x9000004A  }
0x59: {  	s0 =	sadd.s32 @!p0 $0x100000, s1;
	[bflag:$0x2] =	sbarrier.arrive $0xFFFF  }
0x5a: {  	[sflag:s0] =	ssyncadd.tile.s32 @!p0 $0x1;
	_ =	shalt  }
.Lfunc_end1:
_tile_overlayer_lowered:
.L_overlay_start_2:
0x5b: {  	(tag) =	ssettag $0x2  }
0x5c: {  	s0 =	rddreg [dreg:$0x0];
	s2 =	stileid.u32  }
0x5d: {  	s1 =	rddreg [dreg:$0x1];
	p0 =	sne.s32 s2, $0x0  }
0x5e: {  	s3 =	rddreg [dreg:$0x2];
	[bflag:$0x3] =	sbarrier.arrive $0xFFFF;
	s2 =	simm.s32 @!p0 $0x1C01  }
0x5f: {  	[timem:s3], [sflag:s2] =	dma.local @!p0 [hbm:s0], s1  }
0x60: {  	s0 =	simm.s32 @!p0 $0x1  }
0x61: {  	_ =	swait.ge @!p0 [sflag:s0], s1  }
0x62: {  	s1 =	ssub.s32 @!p0 $0x0, s1;
	[sflag:s0] =	ssyncset.done @!p0 $0x0  }
0x63: {  	[sflag:s0] =	ssyncadd.s32 @!p0 s1  }
0x64: {  	[bflag:$0x3] =	sbarrier.arrive $0xFFFF  }
0x65: {  	_ =	shalt  }

</sc_bundles>
